<compile_context>
chip_gen: v7x
topology: tpu7x:2x2x1
jax: 0.10.2.dev20260603
libtpu: 0.0.44.dev20260713+nightly
codegen_flags: <defaults>
</compile_context>

<pallas_src>
import functools

import jax
import jax.numpy as jnp
from jax import lax
from jax.experimental import pallas as pl
from jax.experimental.pallas import tpu as pltpu
from jax.experimental.pallas import tpu_sc as plsc

NC = 2
NS = 16
NW = NC * NS

B = 4096 * 200
D = 64
DW = 128
VOCAB = 1000000

CHUNK = 128
NBUF = 8
B_PER_W = B // NW
SUPER = NBUF * CHUNK
N_SUPER = B_PER_W // SUPER
assert B_PER_W % SUPER == 0


def kernel(x, table):
    idx = (x * 2).reshape(B // CHUNK, CHUNK).astype(jnp.int32)
    tablew = jnp.concatenate(
        [table, jnp.zeros((VOCAB, DW - D), jnp.float32)], axis=1
    )
    table2 = tablew.reshape(2 * VOCAB, D)
    mesh = plsc.VectorSubcoreMesh(core_axis_name="c", subcore_axis_name="s")

    @functools.partial(
        pl.kernel,
        mesh=mesh,
        out_type=jax.ShapeDtypeStruct((B, DW), jnp.float32),
        scratch_types=[
            pltpu.VMEM((NBUF, CHUNK), jnp.int32),
            pltpu.VMEM((NBUF, CHUNK, D), jnp.float32),
        ]
        + [pltpu.SemaphoreType.DMA] * (2 * NBUF),
        compiler_params=pltpu.CompilerParams(use_tc_tiling_on_sc=False),
    )
    def gather_kernel(idx_hbm, table_hbm, out_hbm, idx_v, rows_v, *sems):
        gsems = sems[:NBUF]
        osems = sems[NBUF:]
        wid = lax.axis_index("s") * NC + lax.axis_index("c")
        idx_row_base = wid * (N_SUPER * NBUF)
        out_base = wid * B_PER_W

        @pl.loop(0, N_SUPER)
        def _(t):
            pltpu.sync_copy(
                idx_hbm.at[pl.ds(idx_row_base + t * NBUF, NBUF)],
                idx_v,
            )
            handles = []
            for b in range(NBUF):
                @pl.when(t > 0)
                def _(b=b):
                    pltpu.make_async_copy(
                        rows_v.at[b],
                        out_hbm.at[pl.ds(out_base, CHUNK), pl.ds(0, D)],
                        osems[b],
                    ).wait()

                handles.append(
                    pltpu.async_copy(
                        table_hbm.at[idx_v.at[b]],
                        rows_v.at[b],
                        gsems[b],
                    )
                )
            for b in range(NBUF):
                handles[b].wait()
                pltpu.async_copy(
                    rows_v.at[b],
                    out_hbm.at[
                        pl.ds(out_base + (t * NBUF + b) * CHUNK, CHUNK),
                        pl.ds(0, D),
                    ],
                    osems[b],
                )

        for b in range(NBUF):
            pltpu.make_async_copy(
                rows_v.at[b],
                out_hbm.at[pl.ds(out_base, CHUNK), pl.ds(0, D)],
                osems[b],
            ).wait()

    outw = gather_kernel(idx, table2)
    return outw[:, :D].reshape(x.shape[0], x.shape[1], D)

# --- scband reference (transcript-rebuilt; emitter-appended) ---
"""Pipeline reference for scband-word-embedding-6253472383284 (READ-ONLY COPY).

The authoritative reference and input builder live on the scoring server;
editing this copy changes nothing except your own understanding.
"""

import jax, jax.numpy as jnp
import numpy as np

VOCAB = 1000000
DIM = 64
PAD_IDX = 0

def setup_inputs(seed: int = 0) -> dict:
    key = jax.random.key(seed)
    k_idx, k_tab = jax.random.split(key)
    x = jax.random.randint(k_idx, (4096, 200), 0, VOCAB, dtype=jnp.int64)
    table = jax.random.normal(k_tab, (VOCAB, DIM), dtype=jnp.float32)
    # nn.Embedding with padding_idx zeroes that row at init
    table = table.at[PAD_IDX].set(0.0)
    return {"x": x, "table": table}

def reference(x, table):
    # faithful to nn.Embedding(vocab, dim, padding_idx=0): plain row gather
    return jnp.take(table, x, axis=0)

if __name__ == "__main__":
    import jax
    _d = setup_inputs()
    print(jax.jit(kernel)(*tuple(_d.values())))

</pallas_src>

<mosaic_0001>
#map = affine_map<(d0, d1) -> (0, 0)>
module attributes {stable_mosaic.version = 14 : i64} {
  func.func @gather_kernel(%arg0: i32, %arg1: i32, %arg2: memref<6400x128xi32, #tpu.memory_space<hbm>>, %arg3: memref<2000000x64xf32, #tpu.memory_space<hbm>>, %arg4: memref<819200x128xf32, #tpu.memory_space<hbm>>, %arg5: memref<8x128xi32, #tpu.memory_space<vmem>>, %arg6: memref<8x128x64xf32, #tpu.memory_space<vmem>>, %arg7: memref<!tpu.dma_semaphore, #tpu.memory_space<semaphore_mem>>, %arg8: memref<!tpu.dma_semaphore, #tpu.memory_space<semaphore_mem>>, %arg9: memref<!tpu.dma_semaphore, #tpu.memory_space<semaphore_mem>>, %arg10: memref<!tpu.dma_semaphore, #tpu.memory_space<semaphore_mem>>, %arg11: memref<!tpu.dma_semaphore, #tpu.memory_space<semaphore_mem>>, %arg12: memref<!tpu.dma_semaphore, #tpu.memory_space<semaphore_mem>>, %arg13: memref<!tpu.dma_semaphore, #tpu.memory_space<semaphore_mem>>, %arg14: memref<!tpu.dma_semaphore, #tpu.memory_space<semaphore_mem>>, %arg15: memref<!tpu.dma_semaphore, #tpu.memory_space<semaphore_mem>>, %arg16: memref<!tpu.dma_semaphore, #tpu.memory_space<semaphore_mem>>, %arg17: memref<!tpu.dma_semaphore, #tpu.memory_space<semaphore_mem>>, %arg18: memref<!tpu.dma_semaphore, #tpu.memory_space<semaphore_mem>>, %arg19: memref<!tpu.dma_semaphore, #tpu.memory_space<semaphore_mem>>, %arg20: memref<!tpu.dma_semaphore, #tpu.memory_space<semaphore_mem>>, %arg21: memref<!tpu.dma_semaphore, #tpu.memory_space<semaphore_mem>>, %arg22: memref<!tpu.dma_semaphore, #tpu.memory_space<semaphore_mem>>) attributes {dimension_semantics = [#tpu.dimension_semantics<core_parallel>, #tpu.dimension_semantics<subcore_parallel>], iteration_bounds = array<i64: 2, 16>, scalar_prefetch = 0 : i64, scratch_operands = 18 : i64, tpu.core_type = #tpu.core_type<sc_vector_subcore>, window_params = [{transform_indices = #map}, {transform_indices = #map}, {transform_indices = #map}]} {
    %mul3A = arith.constant 2 : i32
    %mul3A_0 = arith.muli %arg1, %mul3A : i32
    %add3A = arith.addi %mul3A_0, %arg0 : i32
    %mul3A_1 = arith.constant 200 : i32
    %mul3A_2 = arith.muli %add3A, %mul3A_1 : i32
    %mul3A_3 = arith.constant 25600 : i32
    %mul3A_4 = arith.muli %add3A, %mul3A_3 : i32
    %scan3A = arith.constant 0 : i32
    %scan3A_5 = arith.constant 25 : i32
    %scan3A_6 = arith.addi %scan3A, %scan3A_5 : i32
    %scan3A_7 = arith.constant 1 : i32
    scf.for %scan3A_112 = %scan3A to %scan3A_6 step %scan3A_7  : i32 {
      %mul3A_113 = arith.constant 1 : i32
      %mul3A_114 = arith.muli %scan3A_112, %mul3A_113 : i32
      %add3A_115 = arith.constant 0 : i32
      %add3A_116 = arith.addi %add3A_115, %mul3A_114 : i32
      %mul3A_117 = arith.constant 8 : i32
      %mul3A_118 = arith.muli %add3A_116, %mul3A_117 : i32
      %add3A_119 = arith.addi %mul3A_2, %mul3A_118 : i32
      "tpu.region"() ({
        %run_scoped3A = tpu.sem_alloc : memref<!tpu.dma_semaphore, #tpu.memory_space<semaphore_mem>>
        %dma_start3A_508 = arith.constant 0 : i32
        %dma_start3A_509 = tpu.memref_slice %arg2[%add3A_119, %dma_start3A_508] : memref<6400x128xi32, #tpu.memory_space<hbm>> -> memref<8x128xi32, #tpu.memory_space<hbm>>
        %dma_start3A_510 = arith.constant 0 : i32
        %dma_start3A_511 = tpu.memref_slice %arg2[%add3A_119, %dma_start3A_510] : memref<6400x128xi32, #tpu.memory_space<hbm>> -> memref<8x128xi32, #tpu.memory_space<hbm>>
        tpu.enqueue_dma source(%dma_start3A_511 : memref<8x128xi32, #tpu.memory_space<hbm>>) target(%arg5 : memref<8x128xi32, #tpu.memory_space<vmem>>) target_semaphore(%run_scoped3A : memref<!tpu.dma_semaphore, #tpu.memory_space<semaphore_mem>>)
        %dma_wait3A_512 = arith.constant 0 : i32
        %dma_wait3A_513 = tpu.memref_slice %arg2[%add3A_119, %dma_wait3A_512] : memref<6400x128xi32, #tpu.memory_space<hbm>> -> memref<8x128xi32, #tpu.memory_space<hbm>>
        %dma_wait3A_514 = arith.constant 0 : i32
        %dma_wait3A_515 = tpu.memref_slice %arg2[%add3A_119, %dma_wait3A_514] : memref<6400x128xi32, #tpu.memory_space<hbm>> -> memref<8x128xi32, #tpu.memory_space<hbm>>
        tpu.wait_dma2 semaphore(%run_scoped3A : memref<!tpu.dma_semaphore, #tpu.memory_space<semaphore_mem>>) src(%dma_wait3A_515 : memref<8x128xi32, #tpu.memory_space<hbm>>) dst(%arg5 : memref<8x128xi32, #tpu.memory_space<vmem>>)
        tpu.yield
      }) : () -> ()
      %gt3A = arith.constant 0 : i32
      %gt3A_120 = arith.cmpi sgt, %add3A_116, %gt3A : i32
      %convert_element_type3A = arith.extui %gt3A_120 : i1 to i32
      %cond3A = arith.constant 0 : i32
      %cond3A_121 = arith.cmpi ne, %convert_element_type3A, %cond3A : i32
      scf.if %cond3A_121 {
        %dma_wait3A_508 = arith.constant 0 : i32
        %dma_wait3A_509 = arith.constant 0 : i32
        %dma_wait3A_510 = arith.constant 0 : i32
        %dma_wait3A_511 = tpu.memref_slice %arg6[%dma_wait3A_508, %dma_wait3A_509, %dma_wait3A_510] : memref<8x128x64xf32, #tpu.memory_space<vmem>> -> memref<1x128x64xf32, #tpu.memory_space<vmem>>
        %dma_wait3A_512 = tpu.memref_squeeze %dma_wait3A_511 : memref<1x128x64xf32, #tpu.memory_space<vmem>> -> memref<128x64xf32, #tpu.memory_space<vmem>>
        %dma_wait3A_513 = arith.constant 0 : i32
        %dma_wait3A_514 = tpu.memref_slice %arg4[%mul3A_4, %dma_wait3A_513] : memref<819200x128xf32, #tpu.memory_space<hbm>> -> memref<128x64xf32, #tpu.memory_space<hbm>>
        %dma_wait3A_515 = arith.constant 0 : i32
        %dma_wait3A_516 = tpu.memref_slice %arg4[%mul3A_4, %dma_wait3A_515] : memref<819200x128xf32, #tpu.memory_space<hbm>> -> memref<128x64xf32, #tpu.memory_space<hbm>>
        %dma_wait3A_517 = arith.constant 0 : i32
        %dma_wait3A_518 = arith.constant 0 : i32
        %dma_wait3A_519 = tpu.memref_slice %arg6[%dma_wait3A_508, %dma_wait3A_517, %dma_wait3A_518] : memref<8x128x64xf32, #tpu.memory_space<vmem>> -> memref<1x128x64xf32, #tpu.memory_space<vmem>>
        %dma_wait3A_520 = tpu.memref_squeeze %dma_wait3A_519 : memref<1x128x64xf32, #tpu.memory_space<vmem>> -> memref<128x64xf32, #tpu.memory_space<vmem>>
        tpu.wait_dma2 semaphore(%arg15 : memref<!tpu.dma_semaphore, #tpu.memory_space<semaphore_mem>>) src(%dma_wait3A_520 : memref<128x64xf32, #tpu.memory_space<vmem>>) dst(%dma_wait3A_516 : memref<128x64xf32, #tpu.memory_space<hbm>>)
      } else {
      }
      %dma_start3A = arith.constant 0 : i32
      %dma_start3A_122 = arith.constant 0 : i32
      %dma_start3A_123 = arith.constant 0 : i32
      %dma_start3A_124 = arith.constant 0 : i32
      %dma_start3A_125 = tpu.memref_slice %arg6[%dma_start3A_122, %dma_start3A_123, %dma_start3A_124] : memref<8x128x64xf32, #tpu.memory_space<vmem>> -> memref<1x128x64xf32, #tpu.memory_space<vmem>>
      %dma_start3A_126 = tpu.memref_squeeze %dma_start3A_125 : memref<1x128x64xf32, #tpu.memory_space<vmem>> -> memref<128x64xf32, #tpu.memory_space<vmem>>
      %dma_start3A_127 = arith.constant 0 : i32
      %dma_start3A_128 = tpu.memref_slice %arg5[%dma_start3A, %dma_start3A_127] : memref<8x128xi32, #tpu.memory_space<vmem>> -> memref<1x128xi32, #tpu.memory_space<vmem>>
      %dma_start3A_129 = tpu.memref_squeeze %dma_start3A_128 : memref<1x128xi32, #tpu.memory_space<vmem>> -> memref<128xi32, #tpu.memory_space<vmem>>
      %dma_start3A_130 = arith.constant 0 : i32
      %dma_start3A_131 = arith.constant 0 : i32
      %dma_start3A_132 = tpu.memref_slice %arg3[%dma_start3A_130, %dma_start3A_131] : memref<2000000x64xf32, #tpu.memory_space<hbm>> -> memref<2000000x64xf32, #tpu.memory_space<hbm>>
      tpu.enqueue_indirect_dma source(%dma_start3A_132 : memref<2000000x64xf32, #tpu.memory_space<hbm>>) target(%dma_start3A_126 : memref<128x64xf32, #tpu.memory_space<vmem>>) offsets(%dma_start3A_129 : memref<128xi32, #tpu.memory_space<vmem>>) semaphore(%arg7 : memref<!tpu.dma_semaphore, #tpu.memory_space<semaphore_mem>>)
      %gt3A_133 = arith.constant 0 : i32
      %gt3A_134 = arith.cmpi sgt, %add3A_116, %gt3A_133 : i32
      %convert_element_type3A_135 = arith.extui %gt3A_134 : i1 to i32
      %cond3A_136 = arith.constant 0 : i32
      %cond3A_137 = arith.cmpi ne, %convert_element_type3A_135, %cond3A_136 : i32
      scf.if %cond3A_137 {
        %dma_wait3A_508 = arith.constant 1 : i32
        %dma_wait3A_509 = arith.constant 0 : i32
        %dma_wait3A_510 = arith.constant 0 : i32
        %dma_wait3A_511 = tpu.memref_slice %arg6[%dma_wait3A_508, %dma_wait3A_509, %dma_wait3A_510] : memref<8x128x64xf32, #tpu.memory_space<vmem>> -> memref<1x128x64xf32, #tpu.memory_space<vmem>>
        %dma_wait3A_512 = tpu.memref_squeeze %dma_wait3A_511 : memref<1x128x64xf32, #tpu.memory_space<vmem>> -> memref<128x64xf32, #tpu.memory_space<vmem>>
        %dma_wait3A_513 = arith.constant 0 : i32
        %dma_wait3A_514 = tpu.memref_slice %arg4[%mul3A_4, %dma_wait3A_513] : memref<819200x128xf32, #tpu.memory_space<hbm>> -> memref<128x64xf32, #tpu.memory_space<hbm>>
        %dma_wait3A_515 = arith.constant 0 : i32
        %dma_wait3A_516 = tpu.memref_slice %arg4[%mul3A_4, %dma_wait3A_515] : memref<819200x128xf32, #tpu.memory_space<hbm>> -> memref<128x64xf32, #tpu.memory_space<hbm>>
        %dma_wait3A_517 = arith.constant 0 : i32
        %dma_wait3A_518 = arith.constant 0 : i32
        %dma_wait3A_519 = tpu.memref_slice %arg6[%dma_wait3A_508, %dma_wait3A_517, %dma_wait3A_518] : memref<8x128x64xf32, #tpu.memory_space<vmem>> -> memref<1x128x64xf32, #tpu.memory_space<vmem>>
        %dma_wait3A_520 = tpu.memref_squeeze %dma_wait3A_519 : memref<1x128x64xf32, #tpu.memory_space<vmem>> -> memref<128x64xf32, #tpu.memory_space<vmem>>
        tpu.wait_dma2 semaphore(%arg16 : memref<!tpu.dma_semaphore, #tpu.memory_space<semaphore_mem>>) src(%dma_wait3A_520 : memref<128x64xf32, #tpu.memory_space<vmem>>) dst(%dma_wait3A_516 : memref<128x64xf32, #tpu.memory_space<hbm>>)
      } else {
      }
      %dma_start3A_138 = arith.constant 1 : i32
      %dma_start3A_139 = arith.constant 1 : i32
      %dma_start3A_140 = arith.constant 0 : i32
      %dma_start3A_141 = arith.constant 0 : i32
      %dma_start3A_142 = tpu.memref_slice %arg6[%dma_start3A_139, %dma_start3A_140, %dma_start3A_141] : memref<8x128x64xf32, #tpu.memory_space<vmem>> -> memref<1x128x64xf32, #tpu.memory_space<vmem>>
      %dma_start3A_143 = tpu.memref_squeeze %dma_start3A_142 : memref<1x128x64xf32, #tpu.memory_space<vmem>> -> memref<128x64xf32, #tpu.memory_space<vmem>>
      %dma_start3A_144 = arith.constant 0 : i32
      %dma_start3A_145 = tpu.memref_slice %arg5[%dma_start3A_138, %dma_start3A_144] : memref<8x128xi32, #tpu.memory_space<vmem>> -> memref<1x128xi32, #tpu.memory_space<vmem>>
      %dma_start3A_146 = tpu.memref_squeeze %dma_start3A_145 : memref<1x128xi32, #tpu.memory_space<vmem>> -> memref<128xi32, #tpu.memory_space<vmem>>
      %dma_start3A_147 = arith.constant 0 : i32
      %dma_start3A_148 = arith.constant 0 : i32
      %dma_start3A_149 = tpu.memref_slice %arg3[%dma_start3A_147, %dma_start3A_148] : memref<2000000x64xf32, #tpu.memory_space<hbm>> -> memref<2000000x64xf32, #tpu.memory_space<hbm>>
      tpu.enqueue_indirect_dma source(%dma_start3A_149 : memref<2000000x64xf32, #tpu.memory_space<hbm>>) target(%dma_start3A_143 : memref<128x64xf32, #tpu.memory_space<vmem>>) offsets(%dma_start3A_146 : memref<128xi32, #tpu.memory_space<vmem>>) semaphore(%arg8 : memref<!tpu.dma_semaphore, #tpu.memory_space<semaphore_mem>>)
      %gt3A_150 = arith.constant 0 : i32
      %gt3A_151 = arith.cmpi sgt, %add3A_116, %gt3A_150 : i32
      %convert_element_type3A_152 = arith.extui %gt3A_151 : i1 to i32
      %cond3A_153 = arith.constant 0 : i32
      %cond3A_154 = arith.cmpi ne, %convert_element_type3A_152, %cond3A_153 : i32
      scf.if %cond3A_154 {
        %dma_wait3A_508 = arith.constant 2 : i32
        %dma_wait3A_509 = arith.constant 0 : i32
        %dma_wait3A_510 = arith.constant 0 : i32
        %dma_wait3A_511 = tpu.memref_slice %arg6[%dma_wait3A_508, %dma_wait3A_509, %dma_wait3A_510] : memref<8x128x64xf32, #tpu.memory_space<vmem>> -> memref<1x128x64xf32, #tpu.memory_space<vmem>>
        %dma_wait3A_512 = tpu.memref_squeeze %dma_wait3A_511 : memref<1x128x64xf32, #tpu.memory_space<vmem>> -> memref<128x64xf32, #tpu.memory_space<vmem>>
        %dma_wait3A_513 = arith.constant 0 : i32
        %dma_wait3A_514 = tpu.memref_slice %arg4[%mul3A_4, %dma_wait3A_513] : memref<819200x128xf32, #tpu.memory_space<hbm>> -> memref<128x64xf32, #tpu.memory_space<hbm>>
        %dma_wait3A_515 = arith.constant 0 : i32
        %dma_wait3A_516 = tpu.memref_slice %arg4[%mul3A_4, %dma_wait3A_515] : memref<819200x128xf32, #tpu.memory_space<hbm>> -> memref<128x64xf32, #tpu.memory_space<hbm>>
        %dma_wait3A_517 = arith.constant 0 : i32
        %dma_wait3A_518 = arith.constant 0 : i32
        %dma_wait3A_519 = tpu.memref_slice %arg6[%dma_wait3A_508, %dma_wait3A_517, %dma_wait3A_518] : memref<8x128x64xf32, #tpu.memory_space<vmem>> -> memref<1x128x64xf32, #tpu.memory_space<vmem>>
        %dma_wait3A_520 = tpu.memref_squeeze %dma_wait3A_519 : memref<1x128x64xf32, #tpu.memory_space<vmem>> -> memref<128x64xf32, #tpu.memory_space<vmem>>
        tpu.wait_dma2 semaphore(%arg17 : memref<!tpu.dma_semaphore, #tpu.memory_space<semaphore_mem>>) src(%dma_wait3A_520 : memref<128x64xf32, #tpu.memory_space<vmem>>) dst(%dma_wait3A_516 : memref<128x64xf32, #tpu.memory_space<hbm>>)
      } else {
      }
      %dma_start3A_155 = arith.constant 2 : i32
      %dma_start3A_156 = arith.constant 2 : i32
      %dma_start3A_157 = arith.constant 0 : i32
      %dma_start3A_158 = arith.constant 0 : i32
      %dma_start3A_159 = tpu.memref_slice %arg6[%dma_start3A_156, %dma_start3A_157, %dma_start3A_158] : memref<8x128x64xf32, #tpu.memory_space<vmem>> -> memref<1x128x64xf32, #tpu.memory_space<vmem>>
      %dma_start3A_160 = tpu.memref_squeeze %dma_start3A_159 : memref<1x128x64xf32, #tpu.memory_space<vmem>> -> memref<128x64xf32, #tpu.memory_space<vmem>>
      %dma_start3A_161 = arith.constant 0 : i32
      %dma_start3A_162 = tpu.memref_slice %arg5[%dma_start3A_155, %dma_start3A_161] : memref<8x128xi32, #tpu.memory_space<vmem>> -> memref<1x128xi32, #tpu.memory_space<vmem>>
      %dma_start3A_163 = tpu.memref_squeeze %dma_start3A_162 : memref<1x128xi32, #tpu.memory_space<vmem>> -> memref<128xi32, #tpu.memory_space<vmem>>
      %dma_start3A_164 = arith.constant 0 : i32
      %dma_start3A_165 = arith.constant 0 : i32
      %dma_start3A_166 = tpu.memref_slice %arg3[%dma_start3A_164, %dma_start3A_165] : memref<2000000x64xf32, #tpu.memory_space<hbm>> -> memref<2000000x64xf32, #tpu.memory_space<hbm>>
      tpu.enqueue_indirect_dma source(%dma_start3A_166 : memref<2000000x64xf32, #tpu.memory_space<hbm>>) target(%dma_start3A_160 : memref<128x64xf32, #tpu.memory_space<vmem>>) offsets(%dma_start3A_163 : memref<128xi32, #tpu.memory_space<vmem>>) semaphore(%arg9 : memref<!tpu.dma_semaphore, #tpu.memory_space<semaphore_mem>>)
      %gt3A_167 = arith.constant 0 : i32
      %gt3A_168 = arith.cmpi sgt, %add3A_116, %gt3A_167 : i32
      %convert_element_type3A_169 = arith.extui %gt3A_168 : i1 to i32
      %cond3A_170 = arith.constant 0 : i32
      %cond3A_171 = arith.cmpi ne, %convert_element_type3A_169, %cond3A_170 : i32
      scf.if %cond3A_171 {
        %dma_wait3A_508 = arith.constant 3 : i32
        %dma_wait3A_509 = arith.constant 0 : i32
        %dma_wait3A_510 = arith.constant 0 : i32
        %dma_wait3A_511 = tpu.memref_slice %arg6[%dma_wait3A_508, %dma_wait3A_509, %dma_wait3A_510] : memref<8x128x64xf32, #tpu.memory_space<vmem>> -> memref<1x128x64xf32, #tpu.memory_space<vmem>>
        %dma_wait3A_512 = tpu.memref_squeeze %dma_wait3A_511 : memref<1x128x64xf32, #tpu.memory_space<vmem>> -> memref<128x64xf32, #tpu.memory_space<vmem>>
        %dma_wait3A_513 = arith.constant 0 : i32
        %dma_wait3A_514 = tpu.memref_slice %arg4[%mul3A_4, %dma_wait3A_513] : memref<819200x128xf32, #tpu.memory_space<hbm>> -> memref<128x64xf32, #tpu.memory_space<hbm>>
        %dma_wait3A_515 = arith.constant 0 : i32
        %dma_wait3A_516 = tpu.memref_slice %arg4[%mul3A_4, %dma_wait3A_515] : memref<819200x128xf32, #tpu.memory_space<hbm>> -> memref<128x64xf32, #tpu.memory_space<hbm>>
        %dma_wait3A_517 = arith.constant 0 : i32
        %dma_wait3A_518 = arith.constant 0 : i32
        %dma_wait3A_519 = tpu.memref_slice %arg6[%dma_wait3A_508, %dma_wait3A_517, %dma_wait3A_518] : memref<8x128x64xf32, #tpu.memory_space<vmem>> -> memref<1x128x64xf32, #tpu.memory_space<vmem>>
        %dma_wait3A_520 = tpu.memref_squeeze %dma_wait3A_519 : memref<1x128x64xf32, #tpu.memory_space<vmem>> -> memref<128x64xf32, #tpu.memory_space<vmem>>
        tpu.wait_dma2 semaphore(%arg18 : memref<!tpu.dma_semaphore, #tpu.memory_space<semaphore_mem>>) src(%dma_wait3A_520 : memref<128x64xf32, #tpu.memory_space<vmem>>) dst(%dma_wait3A_516 : memref<128x64xf32, #tpu.memory_space<hbm>>)
      } else {
      }
      %dma_start3A_172 = arith.constant 3 : i32
      %dma_start3A_173 = arith.constant 3 : i32
      %dma_start3A_174 = arith.constant 0 : i32
      %dma_start3A_175 = arith.constant 0 : i32
      %dma_start3A_176 = tpu.memref_slice %arg6[%dma_start3A_173, %dma_start3A_174, %dma_start3A_175] : memref<8x128x64xf32, #tpu.memory_space<vmem>> -> memref<1x128x64xf32, #tpu.memory_space<vmem>>
      %dma_start3A_177 = tpu.memref_squeeze %dma_start3A_176 : memref<1x128x64xf32, #tpu.memory_space<vmem>> -> memref<128x64xf32, #tpu.memory_space<vmem>>
      %dma_start3A_178 = arith.constant 0 : i32
      %dma_start3A_179 = tpu.memref_slice %arg5[%dma_start3A_172, %dma_start3A_178] : memref<8x128xi32, #tpu.memory_space<vmem>> -> memref<1x128xi32, #tpu.memory_space<vmem>>
      %dma_start3A_180 = tpu.memref_squeeze %dma_start3A_179 : memref<1x128xi32, #tpu.memory_space<vmem>> -> memref<128xi32, #tpu.memory_space<vmem>>
      %dma_start3A_181 = arith.constant 0 : i32
      %dma_start3A_182 = arith.constant 0 : i32
      %dma_start3A_183 = tpu.memref_slice %arg3[%dma_start3A_181, %dma_start3A_182] : memref<2000000x64xf32, #tpu.memory_space<hbm>> -> memref<2000000x64xf32, #tpu.memory_space<hbm>>
      tpu.enqueue_indirect_dma source(%dma_start3A_183 : memref<2000000x64xf32, #tpu.memory_space<hbm>>) target(%dma_start3A_177 : memref<128x64xf32, #tpu.memory_space<vmem>>) offsets(%dma_start3A_180 : memref<128xi32, #tpu.memory_space<vmem>>) semaphore(%arg10 : memref<!tpu.dma_semaphore, #tpu.memory_space<semaphore_mem>>)
      %gt3A_184 = arith.constant 0 : i32
      %gt3A_185 = arith.cmpi sgt, %add3A_116, %gt3A_184 : i32
      %convert_element_type3A_186 = arith.extui %gt3A_185 : i1 to i32
      %cond3A_187 = arith.constant 0 : i32
      %cond3A_188 = arith.cmpi ne, %convert_element_type3A_186, %cond3A_187 : i32
      scf.if %cond3A_188 {
        %dma_wait3A_508 = arith.constant 4 : i32
        %dma_wait3A_509 = arith.constant 0 : i32
        %dma_wait3A_510 = arith.constant 0 : i32
        %dma_wait3A_511 = tpu.memref_slice %arg6[%dma_wait3A_508, %dma_wait3A_509, %dma_wait3A_510] : memref<8x128x64xf32, #tpu.memory_space<vmem>> -> memref<1x128x64xf32, #tpu.memory_space<vmem>>
        %dma_wait3A_512 = tpu.memref_squeeze %dma_wait3A_511 : memref<1x128x64xf32, #tpu.memory_space<vmem>> -> memref<128x64xf32, #tpu.memory_space<vmem>>
        %dma_wait3A_513 = arith.constant 0 : i32
        %dma_wait3A_514 = tpu.memref_slice %arg4[%mul3A_4, %dma_wait3A_513] : memref<819200x128xf32, #tpu.memory_space<hbm>> -> memref<128x64xf32, #tpu.memory_space<hbm>>
        %dma_wait3A_515 = arith.constant 0 : i32
        %dma_wait3A_516 = tpu.memref_slice %arg4[%mul3A_4, %dma_wait3A_515] : memref<819200x128xf32, #tpu.memory_space<hbm>> -> memref<128x64xf32, #tpu.memory_space<hbm>>
        %dma_wait3A_517 = arith.constant 0 : i32
        %dma_wait3A_518 = arith.constant 0 : i32
        %dma_wait3A_519 = tpu.memref_slice %arg6[%dma_wait3A_508, %dma_wait3A_517, %dma_wait3A_518] : memref<8x128x64xf32, #tpu.memory_space<vmem>> -> memref<1x128x64xf32, #tpu.memory_space<vmem>>
        %dma_wait3A_520 = tpu.memref_squeeze %dma_wait3A_519 : memref<1x128x64xf32, #tpu.memory_space<vmem>> -> memref<128x64xf32, #tpu.memory_space<vmem>>
        tpu.wait_dma2 semaphore(%arg19 : memref<!tpu.dma_semaphore, #tpu.memory_space<semaphore_mem>>) src(%dma_wait3A_520 : memref<128x64xf32, #tpu.memory_space<vmem>>) dst(%dma_wait3A_516 : memref<128x64xf32, #tpu.memory_space<hbm>>)
      } else {
      }
      %dma_start3A_189 = arith.constant 4 : i32
      %dma_start3A_190 = arith.constant 4 : i32
      %dma_start3A_191 = arith.constant 0 : i32
      %dma_start3A_192 = arith.constant 0 : i32
      %dma_start3A_193 = tpu.memref_slice %arg6[%dma_start3A_190, %dma_start3A_191, %dma_start3A_192] : memref<8x128x64xf32, #tpu.memory_space<vmem>> -> memref<1x128x64xf32, #tpu.memory_space<vmem>>
      %dma_start3A_194 = tpu.memref_squeeze %dma_start3A_193 : memref<1x128x64xf32, #tpu.memory_space<vmem>> -> memref<128x64xf32, #tpu.memory_space<vmem>>
      %dma_start3A_195 = arith.constant 0 : i32
      %dma_start3A_196 = tpu.memref_slice %arg5[%dma_start3A_189, %dma_start3A_195] : memref<8x128xi32, #tpu.memory_space<vmem>> -> memref<1x128xi32, #tpu.memory_space<vmem>>
      %dma_start3A_197 = tpu.memref_squeeze %dma_start3A_196 : memref<1x128xi32, #tpu.memory_space<vmem>> -> memref<128xi32, #tpu.memory_space<vmem>>
      %dma_start3A_198 = arith.constant 0 : i32
      %dma_start3A_199 = arith.constant 0 : i32
      %dma_start3A_200 = tpu.memref_slice %arg3[%dma_start3A_198, %dma_start3A_199] : memref<2000000x64xf32, #tpu.memory_space<hbm>> -> memref<2000000x64xf32, #tpu.memory_space<hbm>>
      tpu.enqueue_indirect_dma source(%dma_start3A_200 : memref<2000000x64xf32, #tpu.memory_space<hbm>>) target(%dma_start3A_194 : memref<128x64xf32, #tpu.memory_space<vmem>>) offsets(%dma_start3A_197 : memref<128xi32, #tpu.memory_space<vmem>>) semaphore(%arg11 : memref<!tpu.dma_semaphore, #tpu.memory_space<semaphore_mem>>)
      %gt3A_201 = arith.constant 0 : i32
      %gt3A_202 = arith.cmpi sgt, %add3A_116, %gt3A_201 : i32
      %convert_element_type3A_203 = arith.extui %gt3A_202 : i1 to i32
      %cond3A_204 = arith.constant 0 : i32
      %cond3A_205 = arith.cmpi ne, %convert_element_type3A_203, %cond3A_204 : i32
      scf.if %cond3A_205 {
        %dma_wait3A_508 = arith.constant 5 : i32
        %dma_wait3A_509 = arith.constant 0 : i32
        %dma_wait3A_510 = arith.constant 0 : i32
        %dma_wait3A_511 = tpu.memref_slice %arg6[%dma_wait3A_508, %dma_wait3A_509, %dma_wait3A_510] : memref<8x128x64xf32, #tpu.memory_space<vmem>> -> memref<1x128x64xf32, #tpu.memory_space<vmem>>
        %dma_wait3A_512 = tpu.memref_squeeze %dma_wait3A_511 : memref<1x128x64xf32, #tpu.memory_space<vmem>> -> memref<128x64xf32, #tpu.memory_space<vmem>>
        %dma_wait3A_513 = arith.constant 0 : i32
        %dma_wait3A_514 = tpu.memref_slice %arg4[%mul3A_4, %dma_wait3A_513] : memref<819200x128xf32, #tpu.memory_space<hbm>> -> memref<128x64xf32, #tpu.memory_space<hbm>>
        %dma_wait3A_515 = arith.constant 0 : i32
        %dma_wait3A_516 = tpu.memref_slice %arg4[%mul3A_4, %dma_wait3A_515] : memref<819200x128xf32, #tpu.memory_space<hbm>> -> memref<128x64xf32, #tpu.memory_space<hbm>>
        %dma_wait3A_517 = arith.constant 0 : i32
        %dma_wait3A_518 = arith.constant 0 : i32
        %dma_wait3A_519 = tpu.memref_slice %arg6[%dma_wait3A_508, %dma_wait3A_517, %dma_wait3A_518] : memref<8x128x64xf32, #tpu.memory_space<vmem>> -> memref<1x128x64xf32, #tpu.memory_space<vmem>>
        %dma_wait3A_520 = tpu.memref_squeeze %dma_wait3A_519 : memref<1x128x64xf32, #tpu.memory_space<vmem>> -> memref<128x64xf32, #tpu.memory_space<vmem>>
        tpu.wait_dma2 semaphore(%arg20 : memref<!tpu.dma_semaphore, #tpu.memory_space<semaphore_mem>>) src(%dma_wait3A_520 : memref<128x64xf32, #tpu.memory_space<vmem>>) dst(%dma_wait3A_516 : memref<128x64xf32, #tpu.memory_space<hbm>>)
      } else {
      }
      %dma_start3A_206 = arith.constant 5 : i32
      %dma_start3A_207 = arith.constant 5 : i32
      %dma_start3A_208 = arith.constant 0 : i32
      %dma_start3A_209 = arith.constant 0 : i32
      %dma_start3A_210 = tpu.memref_slice %arg6[%dma_start3A_207, %dma_start3A_208, %dma_start3A_209] : memref<8x128x64xf32, #tpu.memory_space<vmem>> -> memref<1x128x64xf32, #tpu.memory_space<vmem>>
      %dma_start3A_211 = tpu.memref_squeeze %dma_start3A_210 : memref<1x128x64xf32, #tpu.memory_space<vmem>> -> memref<128x64xf32, #tpu.memory_space<vmem>>
      %dma_start3A_212 = arith.constant 0 : i32
      %dma_start3A_213 = tpu.memref_slice %arg5[%dma_start3A_206, %dma_start3A_212] : memref<8x128xi32, #tpu.memory_space<vmem>> -> memref<1x128xi32, #tpu.memory_space<vmem>>
      %dma_start3A_214 = tpu.memref_squeeze %dma_start3A_213 : memref<1x128xi32, #tpu.memory_space<vmem>> -> memref<128xi32, #tpu.memory_space<vmem>>
      %dma_start3A_215 = arith.constant 0 : i32
      %dma_start3A_216 = arith.constant 0 : i32
      %dma_start3A_217 = tpu.memref_slice %arg3[%dma_start3A_215, %dma_start3A_216] : memref<2000000x64xf32, #tpu.memory_space<hbm>> -> memref<2000000x64xf32, #tpu.memory_space<hbm>>
      tpu.enqueue_indirect_dma source(%dma_start3A_217 : memref<2000000x64xf32, #tpu.memory_space<hbm>>) target(%dma_start3A_211 : memref<128x64xf32, #tpu.memory_space<vmem>>) offsets(%dma_start3A_214 : memref<128xi32, #tpu.memory_space<vmem>>) semaphore(%arg12 : memref<!tpu.dma_semaphore, #tpu.memory_space<semaphore_mem>>)
      %gt3A_218 = arith.constant 0 : i32
      %gt3A_219 = arith.cmpi sgt, %add3A_116, %gt3A_218 : i32
      %convert_element_type3A_220 = arith.extui %gt3A_219 : i1 to i32
      %cond3A_221 = arith.constant 0 : i32
      %cond3A_222 = arith.cmpi ne, %convert_element_type3A_220, %cond3A_221 : i32
      scf.if %cond3A_222 {
        %dma_wait3A_508 = arith.constant 6 : i32
        %dma_wait3A_509 = arith.constant 0 : i32
        %dma_wait3A_510 = arith.constant 0 : i32
        %dma_wait3A_511 = tpu.memref_slice %arg6[%dma_wait3A_508, %dma_wait3A_509, %dma_wait3A_510] : memref<8x128x64xf32, #tpu.memory_space<vmem>> -> memref<1x128x64xf32, #tpu.memory_space<vmem>>
        %dma_wait3A_512 = tpu.memref_squeeze %dma_wait3A_511 : memref<1x128x64xf32, #tpu.memory_space<vmem>> -> memref<128x64xf32, #tpu.memory_space<vmem>>
        %dma_wait3A_513 = arith.constant 0 : i32
        %dma_wait3A_514 = tpu.memref_slice %arg4[%mul3A_4, %dma_wait3A_513] : memref<819200x128xf32, #tpu.memory_space<hbm>> -> memref<128x64xf32, #tpu.memory_space<hbm>>
        %dma_wait3A_515 = arith.constant 0 : i32
        %dma_wait3A_516 = tpu.memref_slice %arg4[%mul3A_4, %dma_wait3A_515] : memref<819200x128xf32, #tpu.memory_space<hbm>> -> memref<128x64xf32, #tpu.memory_space<hbm>>
        %dma_wait3A_517 = arith.constant 0 : i32
        %dma_wait3A_518 = arith.constant 0 : i32
        %dma_wait3A_519 = tpu.memref_slice %arg6[%dma_wait3A_508, %dma_wait3A_517, %dma_wait3A_518] : memref<8x128x64xf32, #tpu.memory_space<vmem>> -> memref<1x128x64xf32, #tpu.memory_space<vmem>>
        %dma_wait3A_520 = tpu.memref_squeeze %dma_wait3A_519 : memref<1x128x64xf32, #tpu.memory_space<vmem>> -> memref<128x64xf32, #tpu.memory_space<vmem>>
        tpu.wait_dma2 semaphore(%arg21 : memref<!tpu.dma_semaphore, #tpu.memory_space<semaphore_mem>>) src(%dma_wait3A_520 : memref<128x64xf32, #tpu.memory_space<vmem>>) dst(%dma_wait3A_516 : memref<128x64xf32, #tpu.memory_space<hbm>>)
      } else {
      }
      %dma_start3A_223 = arith.constant 6 : i32
      %dma_start3A_224 = arith.constant 6 : i32
      %dma_start3A_225 = arith.constant 0 : i32
      %dma_start3A_226 = arith.constant 0 : i32
      %dma_start3A_227 = tpu.memref_slice %arg6[%dma_start3A_224, %dma_start3A_225, %dma_start3A_226] : memref<8x128x64xf32, #tpu.memory_space<vmem>> -> memref<1x128x64xf32, #tpu.memory_space<vmem>>
      %dma_start3A_228 = tpu.memref_squeeze %dma_start3A_227 : memref<1x128x64xf32, #tpu.memory_space<vmem>> -> memref<128x64xf32, #tpu.memory_space<vmem>>
      %dma_start3A_229 = arith.constant 0 : i32
      %dma_start3A_230 = tpu.memref_slice %arg5[%dma_start3A_223, %dma_start3A_229] : memref<8x128xi32, #tpu.memory_space<vmem>> -> memref<1x128xi32, #tpu.memory_space<vmem>>
      %dma_start3A_231 = tpu.memref_squeeze %dma_start3A_230 : memref<1x128xi32, #tpu.memory_space<vmem>> -> memref<128xi32, #tpu.memory_space<vmem>>
      %dma_start3A_232 = arith.constant 0 : i32
      %dma_start3A_233 = arith.constant 0 : i32
      %dma_start3A_234 = tpu.memref_slice %arg3[%dma_start3A_232, %dma_start3A_233] : memref<2000000x64xf32, #tpu.memory_space<hbm>> -> memref<2000000x64xf32, #tpu.memory_space<hbm>>
      tpu.enqueue_indirect_dma source(%dma_start3A_234 : memref<2000000x64xf32, #tpu.memory_space<hbm>>) target(%dma_start3A_228 : memref<128x64xf32, #tpu.memory_space<vmem>>) offsets(%dma_start3A_231 : memref<128xi32, #tpu.memory_space<vmem>>) semaphore(%arg13 : memref<!tpu.dma_semaphore, #tpu.memory_space<semaphore_mem>>)
      %gt3A_235 = arith.constant 0 : i32
      %gt3A_236 = arith.cmpi sgt, %add3A_116, %gt3A_235 : i32
      %convert_element_type3A_237 = arith.extui %gt3A_236 : i1 to i32
      %cond3A_238 = arith.constant 0 : i32
      %cond3A_239 = arith.cmpi ne, %convert_element_type3A_237, %cond3A_238 : i32
      scf.if %cond3A_239 {
        %dma_wait3A_508 = arith.constant 7 : i32
        %dma_wait3A_509 = arith.constant 0 : i32
        %dma_wait3A_510 = arith.constant 0 : i32
        %dma_wait3A_511 = tpu.memref_slice %arg6[%dma_wait3A_508, %dma_wait3A_509, %dma_wait3A_510] : memref<8x128x64xf32, #tpu.memory_space<vmem>> -> memref<1x128x64xf32, #tpu.memory_space<vmem>>
        %dma_wait3A_512 = tpu.memref_squeeze %dma_wait3A_511 : memref<1x128x64xf32, #tpu.memory_space<vmem>> -> memref<128x64xf32, #tpu.memory_space<vmem>>
        %dma_wait3A_513 = arith.constant 0 : i32
        %dma_wait3A_514 = tpu.memref_slice %arg4[%mul3A_4, %dma_wait3A_513] : memref<819200x128xf32, #tpu.memory_space<hbm>> -> memref<128x64xf32, #tpu.memory_space<hbm>>
        %dma_wait3A_515 = arith.constant 0 : i32
        %dma_wait3A_516 = tpu.memref_slice %arg4[%mul3A_4, %dma_wait3A_515] : memref<819200x128xf32, #tpu.memory_space<hbm>> -> memref<128x64xf32, #tpu.memory_space<hbm>>
        %dma_wait3A_517 = arith.constant 0 : i32
        %dma_wait3A_518 = arith.constant 0 : i32
        %dma_wait3A_519 = tpu.memref_slice %arg6[%dma_wait3A_508, %dma_wait3A_517, %dma_wait3A_518] : memref<8x128x64xf32, #tpu.memory_space<vmem>> -> memref<1x128x64xf32, #tpu.memory_space<vmem>>
        %dma_wait3A_520 = tpu.memref_squeeze %dma_wait3A_519 : memref<1x128x64xf32, #tpu.memory_space<vmem>> -> memref<128x64xf32, #tpu.memory_space<vmem>>
        tpu.wait_dma2 semaphore(%arg22 : memref<!tpu.dma_semaphore, #tpu.memory_space<semaphore_mem>>) src(%dma_wait3A_520 : memref<128x64xf32, #tpu.memory_space<vmem>>) dst(%dma_wait3A_516 : memref<128x64xf32, #tpu.memory_space<hbm>>)
      } else {
      }
      %dma_start3A_240 = arith.constant 7 : i32
      %dma_start3A_241 = arith.constant 7 : i32
      %dma_start3A_242 = arith.constant 0 : i32
      %dma_start3A_243 = arith.constant 0 : i32
      %dma_start3A_244 = tpu.memref_slice %arg6[%dma_start3A_241, %dma_start3A_242, %dma_start3A_243] : memref<8x128x64xf32, #tpu.memory_space<vmem>> -> memref<1x128x64xf32, #tpu.memory_space<vmem>>
      %dma_start3A_245 = tpu.memref_squeeze %dma_start3A_244 : memref<1x128x64xf32, #tpu.memory_space<vmem>> -> memref<128x64xf32, #tpu.memory_space<vmem>>
      %dma_start3A_246 = arith.constant 0 : i32
      %dma_start3A_247 = tpu.memref_slice %arg5[%dma_start3A_240, %dma_start3A_246] : memref<8x128xi32, #tpu.memory_space<vmem>> -> memref<1x128xi32, #tpu.memory_space<vmem>>
      %dma_start3A_248 = tpu.memref_squeeze %dma_start3A_247 : memref<1x128xi32, #tpu.memory_space<vmem>> -> memref<128xi32, #tpu.memory_space<vmem>>
      %dma_start3A_249 = arith.constant 0 : i32
      %dma_start3A_250 = arith.constant 0 : i32
      %dma_start3A_251 = tpu.memref_slice %arg3[%dma_start3A_249, %dma_start3A_250] : memref<2000000x64xf32, #tpu.memory_space<hbm>> -> memref<2000000x64xf32, #tpu.memory_space<hbm>>
      tpu.enqueue_indirect_dma source(%dma_start3A_251 : memref<2000000x64xf32, #tpu.memory_space<hbm>>) target(%dma_start3A_245 : memref<128x64xf32, #tpu.memory_space<vmem>>) offsets(%dma_start3A_248 : memref<128xi32, #tpu.memory_space<vmem>>) semaphore(%arg14 : memref<!tpu.dma_semaphore, #tpu.memory_space<semaphore_mem>>)
      %dma_wait3A_252 = arith.constant 0 : i32
      %dma_wait3A_253 = arith.constant 0 : i32
      %dma_wait3A_254 = arith.constant 0 : i32
      %dma_wait3A_255 = arith.constant 0 : i32
      %dma_wait3A_256 = tpu.memref_slice %arg6[%dma_wait3A_253, %dma_wait3A_254, %dma_wait3A_255] : memref<8x128x64xf32, #tpu.memory_space<vmem>> -> memref<1x128x64xf32, #tpu.memory_space<vmem>>
      %dma_wait3A_257 = tpu.memref_squeeze %dma_wait3A_256 : memref<1x128x64xf32, #tpu.memory_space<vmem>> -> memref<128x64xf32, #tpu.memory_space<vmem>>
      %dma_wait3A_258 = arith.constant 0 : i32
      %dma_wait3A_259 = tpu.memref_slice %arg5[%dma_wait3A_252, %dma_wait3A_258] : memref<8x128xi32, #tpu.memory_space<vmem>> -> memref<1x128xi32, #tpu.memory_space<vmem>>
      %dma_wait3A_260 = tpu.memref_squeeze %dma_wait3A_259 : memref<1x128xi32, #tpu.memory_space<vmem>> -> memref<128xi32, #tpu.memory_space<vmem>>
      %dma_wait3A_261 = arith.constant 0 : i32
      %dma_wait3A_262 = arith.constant 0 : i32
      %dma_wait3A_263 = tpu.memref_slice %arg3[%dma_wait3A_261, %dma_wait3A_262] : memref<2000000x64xf32, #tpu.memory_space<hbm>> -> memref<2000000x64xf32, #tpu.memory_space<hbm>>
      tpu.wait_indirect_dma semaphore(%arg7 : memref<!tpu.dma_semaphore, #tpu.memory_space<semaphore_mem>>) src(%dma_wait3A_263 : memref<2000000x64xf32, #tpu.memory_space<hbm>>) dst(%dma_wait3A_257 : memref<128x64xf32, #tpu.memory_space<vmem>>)
      %mul3A_264 = arith.constant 8 : i32
      %mul3A_265 = arith.muli %add3A_116, %mul3A_264 : i32
      %add3A_266 = arith.constant 0 : i32
      %add3A_267 = arith.addi %mul3A_265, %add3A_266 : i32
      %mul3A_268 = arith.constant 128 : i32
      %mul3A_269 = arith.muli %add3A_267, %mul3A_268 : i32
      %add3A_270 = arith.addi %mul3A_4, %mul3A_269 : i32
      %dma_start3A_271 = arith.constant 0 : i32
      %dma_start3A_272 = arith.constant 0 : i32
      %dma_start3A_273 = arith.constant 0 : i32
      %dma_start3A_274 = tpu.memref_slice %arg6[%dma_start3A_271, %dma_start3A_272, %dma_start3A_273] : memref<8x128x64xf32, #tpu.memory_space<vmem>> -> memref<1x128x64xf32, #tpu.memory_space<vmem>>
      %dma_start3A_275 = tpu.memref_squeeze %dma_start3A_274 : memref<1x128x64xf32, #tpu.memory_space<vmem>> -> memref<128x64xf32, #tpu.memory_space<vmem>>
      %dma_start3A_276 = arith.constant 0 : i32
      %dma_start3A_277 = tpu.memref_slice %arg4[%add3A_270, %dma_start3A_276] : memref<819200x128xf32, #tpu.memory_space<hbm>> -> memref<128x64xf32, #tpu.memory_space<hbm>>
      %dma_start3A_278 = arith.constant 0 : i32
      %dma_start3A_279 = tpu.memref_slice %arg4[%add3A_270, %dma_start3A_278] : memref<819200x128xf32, #tpu.memory_space<hbm>> -> memref<128x64xf32, #tpu.memory_space<hbm>>
      %dma_start3A_280 = arith.constant 0 : i32
      %dma_start3A_281 = arith.constant 0 : i32
      %dma_start3A_282 = tpu.memref_slice %arg6[%dma_start3A_271, %dma_start3A_280, %dma_start3A_281] : memref<8x128x64xf32, #tpu.memory_space<vmem>> -> memref<1x128x64xf32, #tpu.memory_space<vmem>>
      %dma_start3A_283 = tpu.memref_squeeze %dma_start3A_282 : memref<1x128x64xf32, #tpu.memory_space<vmem>> -> memref<128x64xf32, #tpu.memory_space<vmem>>
      tpu.enqueue_dma source(%dma_start3A_283 : memref<128x64xf32, #tpu.memory_space<vmem>>) target(%dma_start3A_279 : memref<128x64xf32, #tpu.memory_space<hbm>>) target_semaphore(%arg15 : memref<!tpu.dma_semaphore, #tpu.memory_space<semaphore_mem>>)
      %dma_wait3A_284 = arith.constant 1 : i32
      %dma_wait3A_285 = arith.constant 1 : i32
      %dma_wait3A_286 = arith.constant 0 : i32
      %dma_wait3A_287 = arith.constant 0 : i32
      %dma_wait3A_288 = tpu.memref_slice %arg6[%dma_wait3A_285, %dma_wait3A_286, %dma_wait3A_287] : memref<8x128x64xf32, #tpu.memory_space<vmem>> -> memref<1x128x64xf32, #tpu.memory_space<vmem>>
      %dma_wait3A_289 = tpu.memref_squeeze %dma_wait3A_288 : memref<1x128x64xf32, #tpu.memory_space<vmem>> -> memref<128x64xf32, #tpu.memory_space<vmem>>
      %dma_wait3A_290 = arith.constant 0 : i32
      %dma_wait3A_291 = tpu.memref_slice %arg5[%dma_wait3A_284, %dma_wait3A_290] : memref<8x128xi32, #tpu.memory_space<vmem>> -> memref<1x128xi32, #tpu.memory_space<vmem>>
      %dma_wait3A_292 = tpu.memref_squeeze %dma_wait3A_291 : memref<1x128xi32, #tpu.memory_space<vmem>> -> memref<128xi32, #tpu.memory_space<vmem>>
      %dma_wait3A_293 = arith.constant 0 : i32
      %dma_wait3A_294 = arith.constant 0 : i32
      %dma_wait3A_295 = tpu.memref_slice %arg3[%dma_wait3A_293, %dma_wait3A_294] : memref<2000000x64xf32, #tpu.memory_space<hbm>> -> memref<2000000x64xf32, #tpu.memory_space<hbm>>
      tpu.wait_indirect_dma semaphore(%arg8 : memref<!tpu.dma_semaphore, #tpu.memory_space<semaphore_mem>>) src(%dma_wait3A_295 : memref<2000000x64xf32, #tpu.memory_space<hbm>>) dst(%dma_wait3A_289 : memref<128x64xf32, #tpu.memory_space<vmem>>)
      %mul3A_296 = arith.constant 8 : i32
      %mul3A_297 = arith.muli %add3A_116, %mul3A_296 : i32
      %add3A_298 = arith.constant 1 : i32
      %add3A_299 = arith.addi %mul3A_297, %add3A_298 : i32
      %mul3A_300 = arith.constant 128 : i32
      %mul3A_301 = arith.muli %add3A_299, %mul3A_300 : i32
      %add3A_302 = arith.addi %mul3A_4, %mul3A_301 : i32
      %dma_start3A_303 = arith.constant 1 : i32
      %dma_start3A_304 = arith.constant 0 : i32
      %dma_start3A_305 = arith.constant 0 : i32
      %dma_start3A_306 = tpu.memref_slice %arg6[%dma_start3A_303, %dma_start3A_304, %dma_start3A_305] : memref<8x128x64xf32, #tpu.memory_space<vmem>> -> memref<1x128x64xf32, #tpu.memory_space<vmem>>
      %dma_start3A_307 = tpu.memref_squeeze %dma_start3A_306 : memref<1x128x64xf32, #tpu.memory_space<vmem>> -> memref<128x64xf32, #tpu.memory_space<vmem>>
      %dma_start3A_308 = arith.constant 0 : i32
      %dma_start3A_309 = tpu.memref_slice %arg4[%add3A_302, %dma_start3A_308] : memref<819200x128xf32, #tpu.memory_space<hbm>> -> memref<128x64xf32, #tpu.memory_space<hbm>>
      %dma_start3A_310 = arith.constant 0 : i32
      %dma_start3A_311 = tpu.memref_slice %arg4[%add3A_302, %dma_start3A_310] : memref<819200x128xf32, #tpu.memory_space<hbm>> -> memref<128x64xf32, #tpu.memory_space<hbm>>
      %dma_start3A_312 = arith.constant 0 : i32
      %dma_start3A_313 = arith.constant 0 : i32
      %dma_start3A_314 = tpu.memref_slice %arg6[%dma_start3A_303, %dma_start3A_312, %dma_start3A_313] : memref<8x128x64xf32, #tpu.memory_space<vmem>> -> memref<1x128x64xf32, #tpu.memory_space<vmem>>
      %dma_start3A_315 = tpu.memref_squeeze %dma_start3A_314 : memref<1x128x64xf32, #tpu.memory_space<vmem>> -> memref<128x64xf32, #tpu.memory_space<vmem>>
      tpu.enqueue_dma source(%dma_start3A_315 : memref<128x64xf32, #tpu.memory_space<vmem>>) target(%dma_start3A_311 : memref<128x64xf32, #tpu.memory_space<hbm>>) target_semaphore(%arg16 : memref<!tpu.dma_semaphore, #tpu.memory_space<semaphore_mem>>)
      %dma_wait3A_316 = arith.constant 2 : i32
      %dma_wait3A_317 = arith.constant 2 : i32
      %dma_wait3A_318 = arith.constant 0 : i32
      %dma_wait3A_319 = arith.constant 0 : i32
      %dma_wait3A_320 = tpu.memref_slice %arg6[%dma_wait3A_317, %dma_wait3A_318, %dma_wait3A_319] : memref<8x128x64xf32, #tpu.memory_space<vmem>> -> memref<1x128x64xf32, #tpu.memory_space<vmem>>
      %dma_wait3A_321 = tpu.memref_squeeze %dma_wait3A_320 : memref<1x128x64xf32, #tpu.memory_space<vmem>> -> memref<128x64xf32, #tpu.memory_space<vmem>>
      %dma_wait3A_322 = arith.constant 0 : i32
      %dma_wait3A_323 = tpu.memref_slice %arg5[%dma_wait3A_316, %dma_wait3A_322] : memref<8x128xi32, #tpu.memory_space<vmem>> -> memref<1x128xi32, #tpu.memory_space<vmem>>
      %dma_wait3A_324 = tpu.memref_squeeze %dma_wait3A_323 : memref<1x128xi32, #tpu.memory_space<vmem>> -> memref<128xi32, #tpu.memory_space<vmem>>
      %dma_wait3A_325 = arith.constant 0 : i32
      %dma_wait3A_326 = arith.constant 0 : i32
      %dma_wait3A_327 = tpu.memref_slice %arg3[%dma_wait3A_325, %dma_wait3A_326] : memref<2000000x64xf32, #tpu.memory_space<hbm>> -> memref<2000000x64xf32, #tpu.memory_space<hbm>>
      tpu.wait_indirect_dma semaphore(%arg9 : memref<!tpu.dma_semaphore, #tpu.memory_space<semaphore_mem>>) src(%dma_wait3A_327 : memref<2000000x64xf32, #tpu.memory_space<hbm>>) dst(%dma_wait3A_321 : memref<128x64xf32, #tpu.memory_space<vmem>>)
      %mul3A_328 = arith.constant 8 : i32
      %mul3A_329 = arith.muli %add3A_116, %mul3A_328 : i32
      %add3A_330 = arith.constant 2 : i32
      %add3A_331 = arith.addi %mul3A_329, %add3A_330 : i32
      %mul3A_332 = arith.constant 128 : i32
      %mul3A_333 = arith.muli %add3A_331, %mul3A_332 : i32
      %add3A_334 = arith.addi %mul3A_4, %mul3A_333 : i32
      %dma_start3A_335 = arith.constant 2 : i32
      %dma_start3A_336 = arith.constant 0 : i32
      %dma_start3A_337 = arith.constant 0 : i32
      %dma_start3A_338 = tpu.memref_slice %arg6[%dma_start3A_335, %dma_start3A_336, %dma_start3A_337] : memref<8x128x64xf32, #tpu.memory_space<vmem>> -> memref<1x128x64xf32, #tpu.memory_space<vmem>>
      %dma_start3A_339 = tpu.memref_squeeze %dma_start3A_338 : memref<1x128x64xf32, #tpu.memory_space<vmem>> -> memref<128x64xf32, #tpu.memory_space<vmem>>
      %dma_start3A_340 = arith.constant 0 : i32
      %dma_start3A_341 = tpu.memref_slice %arg4[%add3A_334, %dma_start3A_340] : memref<819200x128xf32, #tpu.memory_space<hbm>> -> memref<128x64xf32, #tpu.memory_space<hbm>>
      %dma_start3A_342 = arith.constant 0 : i32
      %dma_start3A_343 = tpu.memref_slice %arg4[%add3A_334, %dma_start3A_342] : memref<819200x128xf32, #tpu.memory_space<hbm>> -> memref<128x64xf32, #tpu.memory_space<hbm>>
      %dma_start3A_344 = arith.constant 0 : i32
      %dma_start3A_345 = arith.constant 0 : i32
      %dma_start3A_346 = tpu.memref_slice %arg6[%dma_start3A_335, %dma_start3A_344, %dma_start3A_345] : memref<8x128x64xf32, #tpu.memory_space<vmem>> -> memref<1x128x64xf32, #tpu.memory_space<vmem>>
      %dma_start3A_347 = tpu.memref_squeeze %dma_start3A_346 : memref<1x128x64xf32, #tpu.memory_space<vmem>> -> memref<128x64xf32, #tpu.memory_space<vmem>>
      tpu.enqueue_dma source(%dma_start3A_347 : memref<128x64xf32, #tpu.memory_space<vmem>>) target(%dma_start3A_343 : memref<128x64xf32, #tpu.memory_space<hbm>>) target_semaphore(%arg17 : memref<!tpu.dma_semaphore, #tpu.memory_space<semaphore_mem>>)
      %dma_wait3A_348 = arith.constant 3 : i32
      %dma_wait3A_349 = arith.constant 3 : i32
      %dma_wait3A_350 = arith.constant 0 : i32
      %dma_wait3A_351 = arith.constant 0 : i32
      %dma_wait3A_352 = tpu.memref_slice %arg6[%dma_wait3A_349, %dma_wait3A_350, %dma_wait3A_351] : memref<8x128x64xf32, #tpu.memory_space<vmem>> -> memref<1x128x64xf32, #tpu.memory_space<vmem>>
      %dma_wait3A_353 = tpu.memref_squeeze %dma_wait3A_352 : memref<1x128x64xf32, #tpu.memory_space<vmem>> -> memref<128x64xf32, #tpu.memory_space<vmem>>
      %dma_wait3A_354 = arith.constant 0 : i32
      %dma_wait3A_355 = tpu.memref_slice %arg5[%dma_wait3A_348, %dma_wait3A_354] : memref<8x128xi32, #tpu.memory_space<vmem>> -> memref<1x128xi32, #tpu.memory_space<vmem>>
      %dma_wait3A_356 = tpu.memref_squeeze %dma_wait3A_355 : memref<1x128xi32, #tpu.memory_space<vmem>> -> memref<128xi32, #tpu.memory_space<vmem>>
      %dma_wait3A_357 = arith.constant 0 : i32
      %dma_wait3A_358 = arith.constant 0 : i32
      %dma_wait3A_359 = tpu.memref_slice %arg3[%dma_wait3A_357, %dma_wait3A_358] : memref<2000000x64xf32, #tpu.memory_space<hbm>> -> memref<2000000x64xf32, #tpu.memory_space<hbm>>
      tpu.wait_indirect_dma semaphore(%arg10 : memref<!tpu.dma_semaphore, #tpu.memory_space<semaphore_mem>>) src(%dma_wait3A_359 : memref<2000000x64xf32, #tpu.memory_space<hbm>>) dst(%dma_wait3A_353 : memref<128x64xf32, #tpu.memory_space<vmem>>)
      %mul3A_360 = arith.constant 8 : i32
      %mul3A_361 = arith.muli %add3A_116, %mul3A_360 : i32
      %add3A_362 = arith.constant 3 : i32
      %add3A_363 = arith.addi %mul3A_361, %add3A_362 : i32
      %mul3A_364 = arith.constant 128 : i32
      %mul3A_365 = arith.muli %add3A_363, %mul3A_364 : i32
      %add3A_366 = arith.addi %mul3A_4, %mul3A_365 : i32
      %dma_start3A_367 = arith.constant 3 : i32
      %dma_start3A_368 = arith.constant 0 : i32
      %dma_start3A_369 = arith.constant 0 : i32
      %dma_start3A_370 = tpu.memref_slice %arg6[%dma_start3A_367, %dma_start3A_368, %dma_start3A_369] : memref<8x128x64xf32, #tpu.memory_space<vmem>> -> memref<1x128x64xf32, #tpu.memory_space<vmem>>
      %dma_start3A_371 = tpu.memref_squeeze %dma_start3A_370 : memref<1x128x64xf32, #tpu.memory_space<vmem>> -> memref<128x64xf32, #tpu.memory_space<vmem>>
      %dma_start3A_372 = arith.constant 0 : i32
      %dma_start3A_373 = tpu.memref_slice %arg4[%add3A_366, %dma_start3A_372] : memref<819200x128xf32, #tpu.memory_space<hbm>> -> memref<128x64xf32, #tpu.memory_space<hbm>>
      %dma_start3A_374 = arith.constant 0 : i32
      %dma_start3A_375 = tpu.memref_slice %arg4[%add3A_366, %dma_start3A_374] : memref<819200x128xf32, #tpu.memory_space<hbm>> -> memref<128x64xf32, #tpu.memory_space<hbm>>
      %dma_start3A_376 = arith.constant 0 : i32
      %dma_start3A_377 = arith.constant 0 : i32
      %dma_start3A_378 = tpu.memref_slice %arg6[%dma_start3A_367, %dma_start3A_376, %dma_start3A_377] : memref<8x128x64xf32, #tpu.memory_space<vmem>> -> memref<1x128x64xf32, #tpu.memory_space<vmem>>
      %dma_start3A_379 = tpu.memref_squeeze %dma_start3A_378 : memref<1x128x64xf32, #tpu.memory_space<vmem>> -> memref<128x64xf32, #tpu.memory_space<vmem>>
      tpu.enqueue_dma source(%dma_start3A_379 : memref<128x64xf32, #tpu.memory_space<vmem>>) target(%dma_start3A_375 : memref<128x64xf32, #tpu.memory_space<hbm>>) target_semaphore(%arg18 : memref<!tpu.dma_semaphore, #tpu.memory_space<semaphore_mem>>)
      %dma_wait3A_380 = arith.constant 4 : i32
      %dma_wait3A_381 = arith.constant 4 : i32
      %dma_wait3A_382 = arith.constant 0 : i32
      %dma_wait3A_383 = arith.constant 0 : i32
      %dma_wait3A_384 = tpu.memref_slice %arg6[%dma_wait3A_381, %dma_wait3A_382, %dma_wait3A_383] : memref<8x128x64xf32, #tpu.memory_space<vmem>> -> memref<1x128x64xf32, #tpu.memory_space<vmem>>
      %dma_wait3A_385 = tpu.memref_squeeze %dma_wait3A_384 : memref<1x128x64xf32, #tpu.memory_space<vmem>> -> memref<128x64xf32, #tpu.memory_space<vmem>>
      %dma_wait3A_386 = arith.constant 0 : i32
      %dma_wait3A_387 = tpu.memref_slice %arg5[%dma_wait3A_380, %dma_wait3A_386] : memref<8x128xi32, #tpu.memory_space<vmem>> -> memref<1x128xi32, #tpu.memory_space<vmem>>
      %dma_wait3A_388 = tpu.memref_squeeze %dma_wait3A_387 : memref<1x128xi32, #tpu.memory_space<vmem>> -> memref<128xi32, #tpu.memory_space<vmem>>
      %dma_wait3A_389 = arith.constant 0 : i32
      %dma_wait3A_390 = arith.constant 0 : i32
      %dma_wait3A_391 = tpu.memref_slice %arg3[%dma_wait3A_389, %dma_wait3A_390] : memref<2000000x64xf32, #tpu.memory_space<hbm>> -> memref<2000000x64xf32, #tpu.memory_space<hbm>>
      tpu.wait_indirect_dma semaphore(%arg11 : memref<!tpu.dma_semaphore, #tpu.memory_space<semaphore_mem>>) src(%dma_wait3A_391 : memref<2000000x64xf32, #tpu.memory_space<hbm>>) dst(%dma_wait3A_385 : memref<128x64xf32, #tpu.memory_space<vmem>>)
      %mul3A_392 = arith.constant 8 : i32
      %mul3A_393 = arith.muli %add3A_116, %mul3A_392 : i32
      %add3A_394 = arith.constant 4 : i32
      %add3A_395 = arith.addi %mul3A_393, %add3A_394 : i32
      %mul3A_396 = arith.constant 128 : i32
      %mul3A_397 = arith.muli %add3A_395, %mul3A_396 : i32
      %add3A_398 = arith.addi %mul3A_4, %mul3A_397 : i32
      %dma_start3A_399 = arith.constant 4 : i32
      %dma_start3A_400 = arith.constant 0 : i32
      %dma_start3A_401 = arith.constant 0 : i32
      %dma_start3A_402 = tpu.memref_slice %arg6[%dma_start3A_399, %dma_start3A_400, %dma_start3A_401] : memref<8x128x64xf32, #tpu.memory_space<vmem>> -> memref<1x128x64xf32, #tpu.memory_space<vmem>>
      %dma_start3A_403 = tpu.memref_squeeze %dma_start3A_402 : memref<1x128x64xf32, #tpu.memory_space<vmem>> -> memref<128x64xf32, #tpu.memory_space<vmem>>
      %dma_start3A_404 = arith.constant 0 : i32
      %dma_start3A_405 = tpu.memref_slice %arg4[%add3A_398, %dma_start3A_404] : memref<819200x128xf32, #tpu.memory_space<hbm>> -> memref<128x64xf32, #tpu.memory_space<hbm>>
      %dma_start3A_406 = arith.constant 0 : i32
      %dma_start3A_407 = tpu.memref_slice %arg4[%add3A_398, %dma_start3A_406] : memref<819200x128xf32, #tpu.memory_space<hbm>> -> memref<128x64xf32, #tpu.memory_space<hbm>>
      %dma_start3A_408 = arith.constant 0 : i32
      %dma_start3A_409 = arith.constant 0 : i32
      %dma_start3A_410 = tpu.memref_slice %arg6[%dma_start3A_399, %dma_start3A_408, %dma_start3A_409] : memref<8x128x64xf32, #tpu.memory_space<vmem>> -> memref<1x128x64xf32, #tpu.memory_space<vmem>>
      %dma_start3A_411 = tpu.memref_squeeze %dma_start3A_410 : memref<1x128x64xf32, #tpu.memory_space<vmem>> -> memref<128x64xf32, #tpu.memory_space<vmem>>
      tpu.enqueue_dma source(%dma_start3A_411 : memref<128x64xf32, #tpu.memory_space<vmem>>) target(%dma_start3A_407 : memref<128x64xf32, #tpu.memory_space<hbm>>) target_semaphore(%arg19 : memref<!tpu.dma_semaphore, #tpu.memory_space<semaphore_mem>>)
      %dma_wait3A_412 = arith.constant 5 : i32
      %dma_wait3A_413 = arith.constant 5 : i32
      %dma_wait3A_414 = arith.constant 0 : i32
      %dma_wait3A_415 = arith.constant 0 : i32
      %dma_wait3A_416 = tpu.memref_slice %arg6[%dma_wait3A_413, %dma_wait3A_414, %dma_wait3A_415] : memref<8x128x64xf32, #tpu.memory_space<vmem>> -> memref<1x128x64xf32, #tpu.memory_space<vmem>>
      %dma_wait3A_417 = tpu.memref_squeeze %dma_wait3A_416 : memref<1x128x64xf32, #tpu.memory_space<vmem>> -> memref<128x64xf32, #tpu.memory_space<vmem>>
      %dma_wait3A_418 = arith.constant 0 : i32
      %dma_wait3A_419 = tpu.memref_slice %arg5[%dma_wait3A_412, %dma_wait3A_418] : memref<8x128xi32, #tpu.memory_space<vmem>> -> memref<1x128xi32, #tpu.memory_space<vmem>>
      %dma_wait3A_420 = tpu.memref_squeeze %dma_wait3A_419 : memref<1x128xi32, #tpu.memory_space<vmem>> -> memref<128xi32, #tpu.memory_space<vmem>>
      %dma_wait3A_421 = arith.constant 0 : i32
      %dma_wait3A_422 = arith.constant 0 : i32
      %dma_wait3A_423 = tpu.memref_slice %arg3[%dma_wait3A_421, %dma_wait3A_422] : memref<2000000x64xf32, #tpu.memory_space<hbm>> -> memref<2000000x64xf32, #tpu.memory_space<hbm>>
      tpu.wait_indirect_dma semaphore(%arg12 : memref<!tpu.dma_semaphore, #tpu.memory_space<semaphore_mem>>) src(%dma_wait3A_423 : memref<2000000x64xf32, #tpu.memory_space<hbm>>) dst(%dma_wait3A_417 : memref<128x64xf32, #tpu.memory_space<vmem>>)
      %mul3A_424 = arith.constant 8 : i32
      %mul3A_425 = arith.muli %add3A_116, %mul3A_424 : i32
      %add3A_426 = arith.constant 5 : i32
      %add3A_427 = arith.addi %mul3A_425, %add3A_426 : i32
      %mul3A_428 = arith.constant 128 : i32
      %mul3A_429 = arith.muli %add3A_427, %mul3A_428 : i32
      %add3A_430 = arith.addi %mul3A_4, %mul3A_429 : i32
      %dma_start3A_431 = arith.constant 5 : i32
      %dma_start3A_432 = arith.constant 0 : i32
      %dma_start3A_433 = arith.constant 0 : i32
      %dma_start3A_434 = tpu.memref_slice %arg6[%dma_start3A_431, %dma_start3A_432, %dma_start3A_433] : memref<8x128x64xf32, #tpu.memory_space<vmem>> -> memref<1x128x64xf32, #tpu.memory_space<vmem>>
      %dma_start3A_435 = tpu.memref_squeeze %dma_start3A_434 : memref<1x128x64xf32, #tpu.memory_space<vmem>> -> memref<128x64xf32, #tpu.memory_space<vmem>>
      %dma_start3A_436 = arith.constant 0 : i32
      %dma_start3A_437 = tpu.memref_slice %arg4[%add3A_430, %dma_start3A_436] : memref<819200x128xf32, #tpu.memory_space<hbm>> -> memref<128x64xf32, #tpu.memory_space<hbm>>
      %dma_start3A_438 = arith.constant 0 : i32
      %dma_start3A_439 = tpu.memref_slice %arg4[%add3A_430, %dma_start3A_438] : memref<819200x128xf32, #tpu.memory_space<hbm>> -> memref<128x64xf32, #tpu.memory_space<hbm>>
      %dma_start3A_440 = arith.constant 0 : i32
      %dma_start3A_441 = arith.constant 0 : i32
      %dma_start3A_442 = tpu.memref_slice %arg6[%dma_start3A_431, %dma_start3A_440, %dma_start3A_441] : memref<8x128x64xf32, #tpu.memory_space<vmem>> -> memref<1x128x64xf32, #tpu.memory_space<vmem>>
      %dma_start3A_443 = tpu.memref_squeeze %dma_start3A_442 : memref<1x128x64xf32, #tpu.memory_space<vmem>> -> memref<128x64xf32, #tpu.memory_space<vmem>>
      tpu.enqueue_dma source(%dma_start3A_443 : memref<128x64xf32, #tpu.memory_space<vmem>>) target(%dma_start3A_439 : memref<128x64xf32, #tpu.memory_space<hbm>>) target_semaphore(%arg20 : memref<!tpu.dma_semaphore, #tpu.memory_space<semaphore_mem>>)
      %dma_wait3A_444 = arith.constant 6 : i32
      %dma_wait3A_445 = arith.constant 6 : i32
      %dma_wait3A_446 = arith.constant 0 : i32
      %dma_wait3A_447 = arith.constant 0 : i32
      %dma_wait3A_448 = tpu.memref_slice %arg6[%dma_wait3A_445, %dma_wait3A_446, %dma_wait3A_447] : memref<8x128x64xf32, #tpu.memory_space<vmem>> -> memref<1x128x64xf32, #tpu.memory_space<vmem>>
      %dma_wait3A_449 = tpu.memref_squeeze %dma_wait3A_448 : memref<1x128x64xf32, #tpu.memory_space<vmem>> -> memref<128x64xf32, #tpu.memory_space<vmem>>
      %dma_wait3A_450 = arith.constant 0 : i32
      %dma_wait3A_451 = tpu.memref_slice %arg5[%dma_wait3A_444, %dma_wait3A_450] : memref<8x128xi32, #tpu.memory_space<vmem>> -> memref<1x128xi32, #tpu.memory_space<vmem>>
      %dma_wait3A_452 = tpu.memref_squeeze %dma_wait3A_451 : memref<1x128xi32, #tpu.memory_space<vmem>> -> memref<128xi32, #tpu.memory_space<vmem>>
      %dma_wait3A_453 = arith.constant 0 : i32
      %dma_wait3A_454 = arith.constant 0 : i32
      %dma_wait3A_455 = tpu.memref_slice %arg3[%dma_wait3A_453, %dma_wait3A_454] : memref<2000000x64xf32, #tpu.memory_space<hbm>> -> memref<2000000x64xf32, #tpu.memory_space<hbm>>
      tpu.wait_indirect_dma semaphore(%arg13 : memref<!tpu.dma_semaphore, #tpu.memory_space<semaphore_mem>>) src(%dma_wait3A_455 : memref<2000000x64xf32, #tpu.memory_space<hbm>>) dst(%dma_wait3A_449 : memref<128x64xf32, #tpu.memory_space<vmem>>)
      %mul3A_456 = arith.constant 8 : i32
      %mul3A_457 = arith.muli %add3A_116, %mul3A_456 : i32
      %add3A_458 = arith.constant 6 : i32
      %add3A_459 = arith.addi %mul3A_457, %add3A_458 : i32
      %mul3A_460 = arith.constant 128 : i32
      %mul3A_461 = arith.muli %add3A_459, %mul3A_460 : i32
      %add3A_462 = arith.addi %mul3A_4, %mul3A_461 : i32
      %dma_start3A_463 = arith.constant 6 : i32
      %dma_start3A_464 = arith.constant 0 : i32
      %dma_start3A_465 = arith.constant 0 : i32
      %dma_start3A_466 = tpu.memref_slice %arg6[%dma_start3A_463, %dma_start3A_464, %dma_start3A_465] : memref<8x128x64xf32, #tpu.memory_space<vmem>> -> memref<1x128x64xf32, #tpu.memory_space<vmem>>
      %dma_start3A_467 = tpu.memref_squeeze %dma_start3A_466 : memref<1x128x64xf32, #tpu.memory_space<vmem>> -> memref<128x64xf32, #tpu.memory_space<vmem>>
      %dma_start3A_468 = arith.constant 0 : i32
      %dma_start3A_469 = tpu.memref_slice %arg4[%add3A_462, %dma_start3A_468] : memref<819200x128xf32, #tpu.memory_space<hbm>> -> memref<128x64xf32, #tpu.memory_space<hbm>>
      %dma_start3A_470 = arith.constant 0 : i32
      %dma_start3A_471 = tpu.memref_slice %arg4[%add3A_462, %dma_start3A_470] : memref<819200x128xf32, #tpu.memory_space<hbm>> -> memref<128x64xf32, #tpu.memory_space<hbm>>
      %dma_start3A_472 = arith.constant 0 : i32
      %dma_start3A_473 = arith.constant 0 : i32
      %dma_start3A_474 = tpu.memref_slice %arg6[%dma_start3A_463, %dma_start3A_472, %dma_start3A_473] : memref<8x128x64xf32, #tpu.memory_space<vmem>> -> memref<1x128x64xf32, #tpu.memory_space<vmem>>
      %dma_start3A_475 = tpu.memref_squeeze %dma_start3A_474 : memref<1x128x64xf32, #tpu.memory_space<vmem>> -> memref<128x64xf32, #tpu.memory_space<vmem>>
      tpu.enqueue_dma source(%dma_start3A_475 : memref<128x64xf32, #tpu.memory_space<vmem>>) target(%dma_start3A_471 : memref<128x64xf32, #tpu.memory_space<hbm>>) target_semaphore(%arg21 : memref<!tpu.dma_semaphore, #tpu.memory_space<semaphore_mem>>)
      %dma_wait3A_476 = arith.constant 7 : i32
      %dma_wait3A_477 = arith.constant 7 : i32
      %dma_wait3A_478 = arith.constant 0 : i32
      %dma_wait3A_479 = arith.constant 0 : i32
      %dma_wait3A_480 = tpu.memref_slice %arg6[%dma_wait3A_477, %dma_wait3A_478, %dma_wait3A_479] : memref<8x128x64xf32, #tpu.memory_space<vmem>> -> memref<1x128x64xf32, #tpu.memory_space<vmem>>
      %dma_wait3A_481 = tpu.memref_squeeze %dma_wait3A_480 : memref<1x128x64xf32, #tpu.memory_space<vmem>> -> memref<128x64xf32, #tpu.memory_space<vmem>>
      %dma_wait3A_482 = arith.constant 0 : i32
      %dma_wait3A_483 = tpu.memref_slice %arg5[%dma_wait3A_476, %dma_wait3A_482] : memref<8x128xi32, #tpu.memory_space<vmem>> -> memref<1x128xi32, #tpu.memory_space<vmem>>
      %dma_wait3A_484 = tpu.memref_squeeze %dma_wait3A_483 : memref<1x128xi32, #tpu.memory_space<vmem>> -> memref<128xi32, #tpu.memory_space<vmem>>
      %dma_wait3A_485 = arith.constant 0 : i32
      %dma_wait3A_486 = arith.constant 0 : i32
      %dma_wait3A_487 = tpu.memref_slice %arg3[%dma_wait3A_485, %dma_wait3A_486] : memref<2000000x64xf32, #tpu.memory_space<hbm>> -> memref<2000000x64xf32, #tpu.memory_space<hbm>>
      tpu.wait_indirect_dma semaphore(%arg14 : memref<!tpu.dma_semaphore, #tpu.memory_space<semaphore_mem>>) src(%dma_wait3A_487 : memref<2000000x64xf32, #tpu.memory_space<hbm>>) dst(%dma_wait3A_481 : memref<128x64xf32, #tpu.memory_space<vmem>>)
      %mul3A_488 = arith.constant 8 : i32
      %mul3A_489 = arith.muli %add3A_116, %mul3A_488 : i32
      %add3A_490 = arith.constant 7 : i32
      %add3A_491 = arith.addi %mul3A_489, %add3A_490 : i32
      %mul3A_492 = arith.constant 128 : i32
      %mul3A_493 = arith.muli %add3A_491, %mul3A_492 : i32
      %add3A_494 = arith.addi %mul3A_4, %mul3A_493 : i32
      %dma_start3A_495 = arith.constant 7 : i32
      %dma_start3A_496 = arith.constant 0 : i32
      %dma_start3A_497 = arith.constant 0 : i32
      %dma_start3A_498 = tpu.memref_slice %arg6[%dma_start3A_495, %dma_start3A_496, %dma_start3A_497] : memref<8x128x64xf32, #tpu.memory_space<vmem>> -> memref<1x128x64xf32, #tpu.memory_space<vmem>>
      %dma_start3A_499 = tpu.memref_squeeze %dma_start3A_498 : memref<1x128x64xf32, #tpu.memory_space<vmem>> -> memref<128x64xf32, #tpu.memory_space<vmem>>
      %dma_start3A_500 = arith.constant 0 : i32
      %dma_start3A_501 = tpu.memref_slice %arg4[%add3A_494, %dma_start3A_500] : memref<819200x128xf32, #tpu.memory_space<hbm>> -> memref<128x64xf32, #tpu.memory_space<hbm>>
      %dma_start3A_502 = arith.constant 0 : i32
      %dma_start3A_503 = tpu.memref_slice %arg4[%add3A_494, %dma_start3A_502] : memref<819200x128xf32, #tpu.memory_space<hbm>> -> memref<128x64xf32, #tpu.memory_space<hbm>>
      %dma_start3A_504 = arith.constant 0 : i32
      %dma_start3A_505 = arith.constant 0 : i32
      %dma_start3A_506 = tpu.memref_slice %arg6[%dma_start3A_495, %dma_start3A_504, %dma_start3A_505] : memref<8x128x64xf32, #tpu.memory_space<vmem>> -> memref<1x128x64xf32, #tpu.memory_space<vmem>>
      %dma_start3A_507 = tpu.memref_squeeze %dma_start3A_506 : memref<1x128x64xf32, #tpu.memory_space<vmem>> -> memref<128x64xf32, #tpu.memory_space<vmem>>
      tpu.enqueue_dma source(%dma_start3A_507 : memref<128x64xf32, #tpu.memory_space<vmem>>) target(%dma_start3A_503 : memref<128x64xf32, #tpu.memory_space<hbm>>) target_semaphore(%arg22 : memref<!tpu.dma_semaphore, #tpu.memory_space<semaphore_mem>>)
    }
    %scan3A_8 = arith.constant 25 : i32
    %dma_wait3A = arith.constant 0 : i32
    %dma_wait3A_9 = arith.constant 0 : i32
    %dma_wait3A_10 = arith.constant 0 : i32
    %dma_wait3A_11 = tpu.memref_slice %arg6[%dma_wait3A, %dma_wait3A_9, %dma_wait3A_10] : memref<8x128x64xf32, #tpu.memory_space<vmem>> -> memref<1x128x64xf32, #tpu.memory_space<vmem>>
    %dma_wait3A_12 = tpu.memref_squeeze %dma_wait3A_11 : memref<1x128x64xf32, #tpu.memory_space<vmem>> -> memref<128x64xf32, #tpu.memory_space<vmem>>
    %dma_wait3A_13 = arith.constant 0 : i32
    %dma_wait3A_14 = tpu.memref_slice %arg4[%mul3A_4, %dma_wait3A_13] : memref<819200x128xf32, #tpu.memory_space<hbm>> -> memref<128x64xf32, #tpu.memory_space<hbm>>
    %dma_wait3A_15 = arith.constant 0 : i32
    %dma_wait3A_16 = tpu.memref_slice %arg4[%mul3A_4, %dma_wait3A_15] : memref<819200x128xf32, #tpu.memory_space<hbm>> -> memref<128x64xf32, #tpu.memory_space<hbm>>
    %dma_wait3A_17 = arith.constant 0 : i32
    %dma_wait3A_18 = arith.constant 0 : i32
    %dma_wait3A_19 = tpu.memref_slice %arg6[%dma_wait3A, %dma_wait3A_17, %dma_wait3A_18] : memref<8x128x64xf32, #tpu.memory_space<vmem>> -> memref<1x128x64xf32, #tpu.memory_space<vmem>>
    %dma_wait3A_20 = tpu.memref_squeeze %dma_wait3A_19 : memref<1x128x64xf32, #tpu.memory_space<vmem>> -> memref<128x64xf32, #tpu.memory_space<vmem>>
    tpu.wait_dma2 semaphore(%arg15 : memref<!tpu.dma_semaphore, #tpu.memory_space<semaphore_mem>>) src(%dma_wait3A_20 : memref<128x64xf32, #tpu.memory_space<vmem>>) dst(%dma_wait3A_16 : memref<128x64xf32, #tpu.memory_space<hbm>>)
    %dma_wait3A_21 = arith.constant 1 : i32
    %dma_wait3A_22 = arith.constant 0 : i32
    %dma_wait3A_23 = arith.constant 0 : i32
    %dma_wait3A_24 = tpu.memref_slice %arg6[%dma_wait3A_21, %dma_wait3A_22, %dma_wait3A_23] : memref<8x128x64xf32, #tpu.memory_space<vmem>> -> memref<1x128x64xf32, #tpu.memory_space<vmem>>
    %dma_wait3A_25 = tpu.memref_squeeze %dma_wait3A_24 : memref<1x128x64xf32, #tpu.memory_space<vmem>> -> memref<128x64xf32, #tpu.memory_space<vmem>>
    %dma_wait3A_26 = arith.constant 0 : i32
    %dma_wait3A_27 = tpu.memref_slice %arg4[%mul3A_4, %dma_wait3A_26] : memref<819200x128xf32, #tpu.memory_space<hbm>> -> memref<128x64xf32, #tpu.memory_space<hbm>>
    %dma_wait3A_28 = arith.constant 0 : i32
    %dma_wait3A_29 = tpu.memref_slice %arg4[%mul3A_4, %dma_wait3A_28] : memref<819200x128xf32, #tpu.memory_space<hbm>> -> memref<128x64xf32, #tpu.memory_space<hbm>>
    %dma_wait3A_30 = arith.constant 0 : i32
    %dma_wait3A_31 = arith.constant 0 : i32
    %dma_wait3A_32 = tpu.memref_slice %arg6[%dma_wait3A_21, %dma_wait3A_30, %dma_wait3A_31] : memref<8x128x64xf32, #tpu.memory_space<vmem>> -> memref<1x128x64xf32, #tpu.memory_space<vmem>>
    %dma_wait3A_33 = tpu.memref_squeeze %dma_wait3A_32 : memref<1x128x64xf32, #tpu.memory_space<vmem>> -> memref<128x64xf32, #tpu.memory_space<vmem>>
    tpu.wait_dma2 semaphore(%arg16 : memref<!tpu.dma_semaphore, #tpu.memory_space<semaphore_mem>>) src(%dma_wait3A_33 : memref<128x64xf32, #tpu.memory_space<vmem>>) dst(%dma_wait3A_29 : memref<128x64xf32, #tpu.memory_space<hbm>>)
    %dma_wait3A_34 = arith.constant 2 : i32
    %dma_wait3A_35 = arith.constant 0 : i32
    %dma_wait3A_36 = arith.constant 0 : i32
    %dma_wait3A_37 = tpu.memref_slice %arg6[%dma_wait3A_34, %dma_wait3A_35, %dma_wait3A_36] : memref<8x128x64xf32, #tpu.memory_space<vmem>> -> memref<1x128x64xf32, #tpu.memory_space<vmem>>
    %dma_wait3A_38 = tpu.memref_squeeze %dma_wait3A_37 : memref<1x128x64xf32, #tpu.memory_space<vmem>> -> memref<128x64xf32, #tpu.memory_space<vmem>>
    %dma_wait3A_39 = arith.constant 0 : i32
    %dma_wait3A_40 = tpu.memref_slice %arg4[%mul3A_4, %dma_wait3A_39] : memref<819200x128xf32, #tpu.memory_space<hbm>> -> memref<128x64xf32, #tpu.memory_space<hbm>>
    %dma_wait3A_41 = arith.constant 0 : i32
    %dma_wait3A_42 = tpu.memref_slice %arg4[%mul3A_4, %dma_wait3A_41] : memref<819200x128xf32, #tpu.memory_space<hbm>> -> memref<128x64xf32, #tpu.memory_space<hbm>>
    %dma_wait3A_43 = arith.constant 0 : i32
    %dma_wait3A_44 = arith.constant 0 : i32
    %dma_wait3A_45 = tpu.memref_slice %arg6[%dma_wait3A_34, %dma_wait3A_43, %dma_wait3A_44] : memref<8x128x64xf32, #tpu.memory_space<vmem>> -> memref<1x128x64xf32, #tpu.memory_space<vmem>>
    %dma_wait3A_46 = tpu.memref_squeeze %dma_wait3A_45 : memref<1x128x64xf32, #tpu.memory_space<vmem>> -> memref<128x64xf32, #tpu.memory_space<vmem>>
    tpu.wait_dma2 semaphore(%arg17 : memref<!tpu.dma_semaphore, #tpu.memory_space<semaphore_mem>>) src(%dma_wait3A_46 : memref<128x64xf32, #tpu.memory_space<vmem>>) dst(%dma_wait3A_42 : memref<128x64xf32, #tpu.memory_space<hbm>>)
    %dma_wait3A_47 = arith.constant 3 : i32
    %dma_wait3A_48 = arith.constant 0 : i32
    %dma_wait3A_49 = arith.constant 0 : i32
    %dma_wait3A_50 = tpu.memref_slice %arg6[%dma_wait3A_47, %dma_wait3A_48, %dma_wait3A_49] : memref<8x128x64xf32, #tpu.memory_space<vmem>> -> memref<1x128x64xf32, #tpu.memory_space<vmem>>
    %dma_wait3A_51 = tpu.memref_squeeze %dma_wait3A_50 : memref<1x128x64xf32, #tpu.memory_space<vmem>> -> memref<128x64xf32, #tpu.memory_space<vmem>>
    %dma_wait3A_52 = arith.constant 0 : i32
    %dma_wait3A_53 = tpu.memref_slice %arg4[%mul3A_4, %dma_wait3A_52] : memref<819200x128xf32, #tpu.memory_space<hbm>> -> memref<128x64xf32, #tpu.memory_space<hbm>>
    %dma_wait3A_54 = arith.constant 0 : i32
    %dma_wait3A_55 = tpu.memref_slice %arg4[%mul3A_4, %dma_wait3A_54] : memref<819200x128xf32, #tpu.memory_space<hbm>> -> memref<128x64xf32, #tpu.memory_space<hbm>>
    %dma_wait3A_56 = arith.constant 0 : i32
    %dma_wait3A_57 = arith.constant 0 : i32
    %dma_wait3A_58 = tpu.memref_slice %arg6[%dma_wait3A_47, %dma_wait3A_56, %dma_wait3A_57] : memref<8x128x64xf32, #tpu.memory_space<vmem>> -> memref<1x128x64xf32, #tpu.memory_space<vmem>>
    %dma_wait3A_59 = tpu.memref_squeeze %dma_wait3A_58 : memref<1x128x64xf32, #tpu.memory_space<vmem>> -> memref<128x64xf32, #tpu.memory_space<vmem>>
    tpu.wait_dma2 semaphore(%arg18 : memref<!tpu.dma_semaphore, #tpu.memory_space<semaphore_mem>>) src(%dma_wait3A_59 : memref<128x64xf32, #tpu.memory_space<vmem>>) dst(%dma_wait3A_55 : memref<128x64xf32, #tpu.memory_space<hbm>>)
    %dma_wait3A_60 = arith.constant 4 : i32
    %dma_wait3A_61 = arith.constant 0 : i32
    %dma_wait3A_62 = arith.constant 0 : i32
    %dma_wait3A_63 = tpu.memref_slice %arg6[%dma_wait3A_60, %dma_wait3A_61, %dma_wait3A_62] : memref<8x128x64xf32, #tpu.memory_space<vmem>> -> memref<1x128x64xf32, #tpu.memory_space<vmem>>
    %dma_wait3A_64 = tpu.memref_squeeze %dma_wait3A_63 : memref<1x128x64xf32, #tpu.memory_space<vmem>> -> memref<128x64xf32, #tpu.memory_space<vmem>>
    %dma_wait3A_65 = arith.constant 0 : i32
    %dma_wait3A_66 = tpu.memref_slice %arg4[%mul3A_4, %dma_wait3A_65] : memref<819200x128xf32, #tpu.memory_space<hbm>> -> memref<128x64xf32, #tpu.memory_space<hbm>>
    %dma_wait3A_67 = arith.constant 0 : i32
    %dma_wait3A_68 = tpu.memref_slice %arg4[%mul3A_4, %dma_wait3A_67] : memref<819200x128xf32, #tpu.memory_space<hbm>> -> memref<128x64xf32, #tpu.memory_space<hbm>>
    %dma_wait3A_69 = arith.constant 0 : i32
    %dma_wait3A_70 = arith.constant 0 : i32
    %dma_wait3A_71 = tpu.memref_slice %arg6[%dma_wait3A_60, %dma_wait3A_69, %dma_wait3A_70] : memref<8x128x64xf32, #tpu.memory_space<vmem>> -> memref<1x128x64xf32, #tpu.memory_space<vmem>>
    %dma_wait3A_72 = tpu.memref_squeeze %dma_wait3A_71 : memref<1x128x64xf32, #tpu.memory_space<vmem>> -> memref<128x64xf32, #tpu.memory_space<vmem>>
    tpu.wait_dma2 semaphore(%arg19 : memref<!tpu.dma_semaphore, #tpu.memory_space<semaphore_mem>>) src(%dma_wait3A_72 : memref<128x64xf32, #tpu.memory_space<vmem>>) dst(%dma_wait3A_68 : memref<128x64xf32, #tpu.memory_space<hbm>>)
    %dma_wait3A_73 = arith.constant 5 : i32
    %dma_wait3A_74 = arith.constant 0 : i32
    %dma_wait3A_75 = arith.constant 0 : i32
    %dma_wait3A_76 = tpu.memref_slice %arg6[%dma_wait3A_73, %dma_wait3A_74, %dma_wait3A_75] : memref<8x128x64xf32, #tpu.memory_space<vmem>> -> memref<1x128x64xf32, #tpu.memory_space<vmem>>
    %dma_wait3A_77 = tpu.memref_squeeze %dma_wait3A_76 : memref<1x128x64xf32, #tpu.memory_space<vmem>> -> memref<128x64xf32, #tpu.memory_space<vmem>>
    %dma_wait3A_78 = arith.constant 0 : i32
    %dma_wait3A_79 = tpu.memref_slice %arg4[%mul3A_4, %dma_wait3A_78] : memref<819200x128xf32, #tpu.memory_space<hbm>> -> memref<128x64xf32, #tpu.memory_space<hbm>>
    %dma_wait3A_80 = arith.constant 0 : i32
    %dma_wait3A_81 = tpu.memref_slice %arg4[%mul3A_4, %dma_wait3A_80] : memref<819200x128xf32, #tpu.memory_space<hbm>> -> memref<128x64xf32, #tpu.memory_space<hbm>>
    %dma_wait3A_82 = arith.constant 0 : i32
    %dma_wait3A_83 = arith.constant 0 : i32
    %dma_wait3A_84 = tpu.memref_slice %arg6[%dma_wait3A_73, %dma_wait3A_82, %dma_wait3A_83] : memref<8x128x64xf32, #tpu.memory_space<vmem>> -> memref<1x128x64xf32, #tpu.memory_space<vmem>>
    %dma_wait3A_85 = tpu.memref_squeeze %dma_wait3A_84 : memref<1x128x64xf32, #tpu.memory_space<vmem>> -> memref<128x64xf32, #tpu.memory_space<vmem>>
    tpu.wait_dma2 semaphore(%arg20 : memref<!tpu.dma_semaphore, #tpu.memory_space<semaphore_mem>>) src(%dma_wait3A_85 : memref<128x64xf32, #tpu.memory_space<vmem>>) dst(%dma_wait3A_81 : memref<128x64xf32, #tpu.memory_space<hbm>>)
    %dma_wait3A_86 = arith.constant 6 : i32
    %dma_wait3A_87 = arith.constant 0 : i32
    %dma_wait3A_88 = arith.constant 0 : i32
    %dma_wait3A_89 = tpu.memref_slice %arg6[%dma_wait3A_86, %dma_wait3A_87, %dma_wait3A_88] : memref<8x128x64xf32, #tpu.memory_space<vmem>> -> memref<1x128x64xf32, #tpu.memory_space<vmem>>
    %dma_wait3A_90 = tpu.memref_squeeze %dma_wait3A_89 : memref<1x128x64xf32, #tpu.memory_space<vmem>> -> memref<128x64xf32, #tpu.memory_space<vmem>>
    %dma_wait3A_91 = arith.constant 0 : i32
    %dma_wait3A_92 = tpu.memref_slice %arg4[%mul3A_4, %dma_wait3A_91] : memref<819200x128xf32, #tpu.memory_space<hbm>> -> memref<128x64xf32, #tpu.memory_space<hbm>>
    %dma_wait3A_93 = arith.constant 0 : i32
    %dma_wait3A_94 = tpu.memref_slice %arg4[%mul3A_4, %dma_wait3A_93] : memref<819200x128xf32, #tpu.memory_space<hbm>> -> memref<128x64xf32, #tpu.memory_space<hbm>>
    %dma_wait3A_95 = arith.constant 0 : i32
    %dma_wait3A_96 = arith.constant 0 : i32
    %dma_wait3A_97 = tpu.memref_slice %arg6[%dma_wait3A_86, %dma_wait3A_95, %dma_wait3A_96] : memref<8x128x64xf32, #tpu.memory_space<vmem>> -> memref<1x128x64xf32, #tpu.memory_space<vmem>>
    %dma_wait3A_98 = tpu.memref_squeeze %dma_wait3A_97 : memref<1x128x64xf32, #tpu.memory_space<vmem>> -> memref<128x64xf32, #tpu.memory_space<vmem>>
    tpu.wait_dma2 semaphore(%arg21 : memref<!tpu.dma_semaphore, #tpu.memory_space<semaphore_mem>>) src(%dma_wait3A_98 : memref<128x64xf32, #tpu.memory_space<vmem>>) dst(%dma_wait3A_94 : memref<128x64xf32, #tpu.memory_space<hbm>>)
    %dma_wait3A_99 = arith.constant 7 : i32
    %dma_wait3A_100 = arith.constant 0 : i32
    %dma_wait3A_101 = arith.constant 0 : i32
    %dma_wait3A_102 = tpu.memref_slice %arg6[%dma_wait3A_99, %dma_wait3A_100, %dma_wait3A_101] : memref<8x128x64xf32, #tpu.memory_space<vmem>> -> memref<1x128x64xf32, #tpu.memory_space<vmem>>
    %dma_wait3A_103 = tpu.memref_squeeze %dma_wait3A_102 : memref<1x128x64xf32, #tpu.memory_space<vmem>> -> memref<128x64xf32, #tpu.memory_space<vmem>>
    %dma_wait3A_104 = arith.constant 0 : i32
    %dma_wait3A_105 = tpu.memref_slice %arg4[%mul3A_4, %dma_wait3A_104] : memref<819200x128xf32, #tpu.memory_space<hbm>> -> memref<128x64xf32, #tpu.memory_space<hbm>>
    %dma_wait3A_106 = arith.constant 0 : i32
    %dma_wait3A_107 = tpu.memref_slice %arg4[%mul3A_4, %dma_wait3A_106] : memref<819200x128xf32, #tpu.memory_space<hbm>> -> memref<128x64xf32, #tpu.memory_space<hbm>>
    %dma_wait3A_108 = arith.constant 0 : i32
    %dma_wait3A_109 = arith.constant 0 : i32
    %dma_wait3A_110 = tpu.memref_slice %arg6[%dma_wait3A_99, %dma_wait3A_108, %dma_wait3A_109] : memref<8x128x64xf32, #tpu.memory_space<vmem>> -> memref<1x128x64xf32, #tpu.memory_space<vmem>>
    %dma_wait3A_111 = tpu.memref_squeeze %dma_wait3A_110 : memref<1x128x64xf32, #tpu.memory_space<vmem>> -> memref<128x64xf32, #tpu.memory_space<vmem>>
    tpu.wait_dma2 semaphore(%arg22 : memref<!tpu.dma_semaphore, #tpu.memory_space<semaphore_mem>>) src(%dma_wait3A_111 : memref<128x64xf32, #tpu.memory_space<vmem>>) dst(%dma_wait3A_107 : memref<128x64xf32, #tpu.memory_space<hbm>>)
    return
  }
}

</mosaic_0001>

<sc_bundles>
// kernel: kernel.3.cloned.1.call-start
scs
__scs_entry_jumppad:
0x0: {  	(pc) =	sbr.rel $0x88, $3  }
0x1: {  	(tag) =	ssettag $0x0;
	lr =	simm.s32 $0x1  }
0x2: {  	[smem:$0x3F9F] =	sst lr;
	_ =	strace $0xD0000000  }
0x3: {  	_ = 	snop  }
0x4: {  	_ = 	snop  }
0x5: {  	_ = 	snop  }
0x6: {  	_ = 	snop  }
0x7: {  	_ = 	snop  }
__scs_overlays_trampoline_lowered:
0x8: {  	[smem:$0x3FAE] =	sst s0  }
0x9: {  	[smem:$0x3FAF] =	sst s1  }
0xa: {  	[smem:$0x3FB0] =	sst s2  }
0xb: {  	[smem:$0x3FB1] =	sst s3  }
0xc: {  	[smem:$0x3FB2] =	sst s4  }
0xd: {  	[smem:$0x3FB3] =	sst s5  }
0xe: {  	[smem:$0x3FB4] =	sst s6  }
0xf: {  	[smem:$0x3FB5] =	sst s7  }
0x10: {  	[smem:$0x3FB6] =	sst s8  }
0x11: {  	[smem:$0x3FB7] =	sst s9;
	s0 =	simm.s32 @!p0 $0x0  }
0x12: {  	s1 =	sld [smem:$0x3F9D];
	s0 =	simm.s32 @p0 $0x1  }
0x13: {  	[smem:$0x3FB8] =	sst s0;
	s0 =	simm.s32 @!p1 $0x0  }
0x14: {  	s2 =	sld [smem:$0x3F9C];
	s0 =	simm.s32 @p1 $0x1  }
0x15: {  	[smem:$0x3FB9] =	sst s0;
	s0 =	simm.s32 @!p2 $0x0  }
0x16: {  	s3 =	sld [smem:$0x3FDB];
	s0 =	simm.s32 @p2 $0x1  }
0x17: {  	s4 =	simm.s32 $0x1BF5;
	[smem:$0x3FBB] =	sst s0  }
0x18: {  	s0 =	sld [smem:$0x3F9E];
	_ =	swait.ge [sflag:s4], $0x0  }
0x19: {  	s7 =	sld [smem:$0x3F9F]  }
0x1a: {  	s8 =	sadd.s32 $0xFFFFE003, lr  }
0x1b: {  	s9 =	sadd.s32 $0xFFFFFEF7, lr;
	s5 =	simm.s32 $0xFFFFFFFF;
	p2 =	slt.u32 s8, $0xFFFFF086  }
0x1c: {  	p1 =	slt.u32 s9, $0xF7A;
	s5 =	simm.s32 @!p2 $0x0  }
0x1d: {  	s5 =	simm.s32 @p1 $0x1;
	p0 =	seq.s32 s7, s2  }
0x1e: {  	s7 =	smul.u32 @!p0 $0xF7A, s2;
	p2 =	seq.s32 @!p0 s5, $0x0  }
0x1f: {  	s9 =	smul.u32 $0xF7A, s1;
	s8 =	simm.s32 @!p0 $0x1BF5;
	p2 =	por !p2, p0  }
0x20: {  	[sflag:s8] =	ssyncset.s32 @!p0 $0xFFFFF086;
	s6 =	sadd.s32 @!p0 s3, s7;
	s7 =	simm.s32 @!p0 $0x108  }
0x21: {  	s3 =	sadd.s32 s3, s9;
	s6 =	sadd.s32 @!p0 $0x88, s6;
	s7 =	simm.s32 @p2 $0x1082  }
0x22: {  	[simem:s7], [sflag:s8] =	dma.local @!p0 [hbm:s6], $0xF7A  }
0x23: {  	s9 =	sor.u32 $0xD0000000, s2;
	s6 =	simm.s32 $0x108;
	_ =	swait.ge @!p0 [sflag:s8], $0x0  }
0x24: {  	s3 =	sadd.s32 $0x88, s3;
	s6 =	simm.s32 @!p1 $0x1082;
	[sflag:s4] =	ssyncset.s32 $0xFFFFF086  }
0x25: {  	[simem:s6], [sflag:s4] =	dma.local [hbm:s3], $0xF7A  }
0x26: {  	[smem:$0x3F9F] =	sst s1;
	(tag) =	ssettag s2;
	_ =	strace s9  }
0x27: {  	s1 =	sld [smem:$0x3FAF]  }
0x28: {  	s2 =	sld [smem:$0x3FB0]  }
0x29: {  	s4 =	sld [smem:$0x3FB2]  }
0x2a: {  	p0 =	seq.s32 s5, $0x0;
	s5 =	sld [smem:$0x3FB3]  }
0x2b: {  	s6 =	sld [smem:$0x3FB4]  }
0x2c: {  	s7 =	sld [smem:$0x3FB5]  }
0x2d: {  	s3 =	simm.s32 $0x108;
	s8 =	sld [smem:$0x3FB6]  }
0x2e: {  	s3 =	simm.s32 @!p0 $0x1082;
	s9 =	sld [smem:$0x3FB7]  }
0x2f: {  	lr =	sadd.s32 s0, s3;
	s0 =	sld [smem:$0x3FAE]  }
0x30: {  	s3 =	sld [smem:$0x3FB1]  }
0x31: {  	[smem:$0x3FBA] =	sst s10  }
0x32: {  	s10 =	sld [smem:$0x3FB8];
	_ =	sdelay $0x3  }
0x33: {  	p0 =	seq.s32 s10, $0x1;
	s10 =	sld [smem:$0x3FBA];
	_ =	sdelay $0x3  }
0x34: {  	[smem:$0x3FBA] =	sst s10  }
0x35: {  	s10 =	sld [smem:$0x3FB9];
	_ =	sdelay $0x3  }
0x36: {  	p1 =	seq.s32 s10, $0x1;
	s10 =	sld [smem:$0x3FBA];
	_ =	sdelay $0x3  }
0x37: {  	[smem:$0x3FBA] =	sst s10  }
0x38: {  	s10 =	sld [smem:$0x3FBB]  }
0x39: {  	_ = 	snop;
	(pc) =	sbr.ind lr, $3  }
0x3a: {  	_ = 	snop  }
0x3b: {  	_ = 	snop  }
0x3c: {  	p2 =	seq.s32 s10, $0x1;
	s10 =	sld [smem:$0x3FBA]  }
0x3d: {  	_ =	shalt  }
0x3e: {  	_ =	shalt  }
0x3f: {  	_ =	shalt  }
0x40: {  	_ =	shalt  }
0x41: {  	_ =	shalt  }
0x42: {  	_ =	shalt  }
0x43: {  	_ =	shalt  }
0x44: {  	_ =	shalt  }
0x45: {  	_ =	shalt  }
0x46: {  	_ =	shalt  }
0x47: {  	_ =	shalt  }
0x48: {  	_ =	shalt  }
0x49: {  	_ =	shalt  }
0x4a: {  	_ =	shalt  }
0x4b: {  	_ =	shalt  }
0x4c: {  	_ =	shalt  }
0x4d: {  	_ =	shalt  }
0x4e: {  	_ =	shalt  }
0x4f: {  	_ =	shalt  }
0x50: {  	_ =	shalt  }
0x51: {  	_ =	shalt  }
0x52: {  	_ =	shalt  }
0x53: {  	_ =	shalt  }
0x54: {  	_ =	shalt  }
0x55: {  	_ =	shalt  }
0x56: {  	_ =	shalt  }
0x57: {  	_ =	shalt  }
0x58: {  	_ =	shalt  }
0x59: {  	_ =	shalt  }
0x5a: {  	_ =	shalt  }
0x5b: {  	_ =	shalt  }
0x5c: {  	_ =	shalt  }
0x5d: {  	_ =	shalt  }
0x5e: {  	_ =	shalt  }
0x5f: {  	_ =	shalt  }
0x60: {  	_ =	shalt  }
0x61: {  	_ =	shalt  }
0x62: {  	_ =	shalt  }
0x63: {  	_ =	shalt  }
0x64: {  	_ =	shalt  }
0x65: {  	_ =	shalt  }
0x66: {  	_ =	shalt  }
0x67: {  	_ =	shalt  }
0x68: {  	_ =	shalt  }
0x69: {  	_ =	shalt  }
0x6a: {  	_ =	shalt  }
0x6b: {  	_ =	shalt  }
0x6c: {  	_ =	shalt  }
0x6d: {  	_ =	shalt  }
0x6e: {  	_ =	shalt  }
0x6f: {  	_ =	shalt  }
0x70: {  	_ =	shalt  }
0x71: {  	_ =	shalt  }
0x72: {  	_ =	shalt  }
0x73: {  	_ =	shalt  }
0x74: {  	_ =	shalt  }
0x75: {  	_ =	shalt  }
0x76: {  	_ =	shalt  }
0x77: {  	_ =	shalt  }
0x78: {  	_ =	shalt  }
0x79: {  	_ =	shalt  }
0x7a: {  	_ =	shalt  }
0x7b: {  	_ =	shalt  }
0x7c: {  	_ =	shalt  }
0x7d: {  	_ =	shalt  }
0x7e: {  	_ =	shalt  }
0x7f: {  	_ =	shalt  }
0x80: {  	_ =	shalt  }
0x81: {  	_ =	shalt  }
0x82: {  	_ =	shalt  }
0x83: {  	_ =	shalt  }
0x84: {  	_ =	shalt  }
0x85: {  	_ =	shalt  }
0x86: {  	_ =	shalt  }
0x87: {  	_ =	shalt  }
.Lfunc_end0:
.L_simem_size_0:
called_computation.2_lowered:
.L_overlay_start_0:
0x88: {  	s2 =	sld [smem:$0x3FD9]  }
0x89: {  	s3 =	sld [smem:$0x3FFE];
	_ =	sdelay $0x1  }
0x8a: {  	s1 =	srdreg.scid  }
0x8b: {  	s0 =	sand.u32 $0x1, s1  }
0x8c: {  	s17 =	sshll.u32 s0, $0xA;
	s2 =	sadd.s32 s3, s2  }
0x8d: {  	s2 =	sadd.s32 s2, s17  }
0x8e: {  	[smem:$0x3FC6] =	sst s2  }
0x8f: {  	_ = 	snop  }
0x90: {  	s2 =	sld [smem:$0x3FD0];
	(tm) =	ssettm $0x1  }
0x91: {  	s18 =	sld [smem:$0x3FFB];
	_ =	sdelay $0x3  }
0x92: {  	_ =	strace s18  }
0x93: {  	s3 =	sld [smem:$0x3FFC];
	_ =	sdelay $0x3  }
0x94: {  	_ =	strace s3  }
0x95: {  	s3 =	sld [smem:$0x3FFD];
	_ =	sdelay $0x3  }
0x96: {  	_ =	strace s3  }
0x97: {  	_ =	strace $0x8FFFFFFF  }
0x98: {  	s19 =	sld [smem:$0x3FDB];
	_ =	sdelay $0x1  }
0x99: {  	s4 =	simm.s32 $_scs_section_size  }
0x9a: {  	s5 =	simm.s32 $_size__tile_overlayer_lowered;
	s6 =	simm.s32 $_tile_overlayer_lowered  }
0x9b: {  	s22 =	simm.s32 $0x1BFF;
	s21 =	sshll.u32 s6, $0x1;
	s3 =	sadd.s32 s4, s19  }
0x9c: {  	s7 =	simm.s32 $0x0;
	s20 =	sshll.u32 s5, $0x1;
	s5 =	sadd.s32 s21, s3  }
0x9d: {  	[timem:s7], [sflag:s22] =	dma.local [hbm:s5], s20  }
0x9e: {  	_ =	swait.ge [sflag:s22], s20  }
0x9f: {  	s4 =	ssub.s32 $0x0, s20;
	[sflag:s22] =	ssyncset.done $0x0  }
0xa0: {  	[sflag:s22] =	ssyncadd.s32 s4;
	_ =	sdelay $0x1  }
0xa1: {  	s23 =	simm.s32 $0x1B8B  }
0xa2: {  	_ =	swait.ge [sflag:s23], $0x1  }
0xa3: {  	[sflag:s23] =	ssyncset.done $0x0  }
0xa4: {  	s25 =	simm.s32 $0x1B8E;
	s24 =	sld [smem:$0x3FFE];
	[sflag:s23] =	ssyncadd.s32 $0xFFFFFFFF  }
0xa5: {  	s26 =	simm.s32 $execute0_lowered;
	[smem:$0x3FD2] =	sst s25  }
0xa6: {  	s5 =	sshll.u32 s26, $0x1;
	_ =	strace $0x80000049;
	[dreg:$0x1] =	wrdreg $0xFFFFFFFF  }
0xa7: {  	s28 =	simm.s32 $_size_execute0_lowered;
	s3 =	sadd.s32 s3, s5;
	[dreg:$0x0] =	wrdreg $0x0  }
0xa8: {  	s5 =	sshll.u32 s28, $0x1;
	[dreg:$0x2] =	wrdreg s3  }
0xa9: {  	[dreg:$0x3] =	wrdreg s5  }
0xaa: {  	[dreg:$0x4] =	wrdreg $0xC0  }
0xab: {  	_ =	task [dreg:s7], $0x5FFFF  }
0xac: {  	[dreg:$0x1] =	wrdreg $0xFFFFFFFF  }
0xad: {  	[dreg:$0x0] =	wrdreg $0x60  }
0xae: {  	[dreg:$0x2] =	wrdreg s2  }
0xaf: {  	[dreg:$0x3] =	wrdreg s24  }
0xb0: {  	[dreg:$0x4] =	wrdreg $0x9  }
0xb1: {  	_ =	task.clear_ibuf [dreg:s7], $0x5FFFF;
	_ =	strace $0x90000049  }
0xb2: {  	s29 =	simm.s32 $0x9;
	_ =	strace $0x8000004B  }
0xb3: {  	_ =	swait.ge [sflag:s29], $0x1  }
0xb4: {  	[sflag:s29] =	ssyncadd.s32 $0xFFFFFFFF  }
0xb5: {  	_ =	strace $0x9000004B  }
0xb6: {  	_ =	sfence  }
0xb7: {  	s30 =	sld [smem:$0x0];
	_ =	sdelay $0x2  }
0xb8: {  	s31 =	sshll.u32 s1, $0xD;
	s1 =	sshrl.u32 s1, $0x2  }
0xb9: {  	s3 =	sand.u32 $0x4000, s31;
	s1 =	sadd.s32 s1, s30  }
0xba: {  	s0 =	sor.u32 s3, s0;
	s1 =	sshll.u32 s1, $0x11  }
0xbb: {  	s0 =	sor.u32 s1, s0  }
0xbc: {  	s0 =	sadd.s32 $0x8F2B, s0  }
0xbd: {  	[sflag:s0] =	ssyncadd.remote.s32 $0x1  }
0xbe: {  	_ =	sfence.sel $0xFFFF  }
0xbf: {  	[dreg:$0x0] =	wrdreg $0xFFFFFFFF;
	(pc) =	sbr.abs _section_cstart, $3  }
0xc0: {  	[dreg:$0x1] =	wrdreg $0xFFFFFFFF  }
0xc1: {  	_ =	task.clear_ibuf [dreg:s7], $0x2FFFF;
	_ =	strace $0x9FFFFFFF  }
0xc2: {  	(tm) =	ssettm $0x7FFFFFFF  }
0xc3: {  	_ =	shalt  }
tec
execute0_lowered:
.L_overlay_start_1:
0x0: {  	(tag) =	ssettag $0x1  }
0x1: {  	s1 =	srdreg.scid  }
0x2: {  	s0 =	stileid.u32;
	s6 =	rddreg [dreg:$0x0]  }
0x3: {  	s7 =	rddreg [dreg:$0x1];
	s2 =	simm.s32 $0x0;
	s31 =	simm.s32 $0x380  }
0x4: {  	s11 =	simm.s32 $0x400;
	s10 =	simm.s32 $0x40;
	s12 =	simm.s32 $0x2400  }
0x5: {  	s13 =	simm.s32 $0x4400;
	s14 =	simm.s32 $0x6400;
	s3 =	smul.u32 $0x640000, s0  }
0x6: {  	s5 =	sand.u32 $0x1, s1;
	s8 =	smul.u32 $0xC800, s0;
	[smem:$0x7FF] =	sst s2  }
0x7: {  	s26 =	smul.u32 $0x1900, s0;
	_ =	strace $0x8000004A;
	[dreg:$0xb] =	wrdreg s31  }
0x8: {  	s16 =	sadd.s32 $0xE00, s7;
	s4 =	smul.u32 $0x320000, s5;
	[dreg:$0xc] =	wrdreg s11  }
0x9: {  	s9 =	smul.u32 $0x6400, s5;
	s19 =	ssub.s32 $0x2, s5;
	[dreg:$0xd] =	wrdreg s12  }
0xa: {  	s5 =	smul.u32 $0xC80, s5;
	s11 =	simm.s32 $0x2;
	[dreg:$0xe] =	wrdreg s13  }
0xb: {  	s12 =	simm.s32 $0x3;
	s13 =	simm.s32 $0x4;
	[dreg:$0xf] =	wrdreg s14  }
0xc: {  	s14 =	simm.s32 $0x5;
	s21 =	sshrl.u32 s19, $0x1;
	s6 =	sadd.s32 s26, s6  }
0xd: {  	s26 =	simm.s32 $0x0;
	s3 =	sadd.s32 s4, s3;
	s15 =	sadd.s32 s9, s8  }
0xe: {  	s5 =	sadd.s32 s5, s6;
	s6 =	simm.s32 $0x11;
	s9 =	simm.s32 $0x1  }
0xf: {  	s17 =	sshrl.u32 s3, $0x3;
	s4 =	sshll.u32 s15, $0x4;
	s15 =	simm.s32 $0x8400  }
0x10: {  	s3 =	sadd.s32 $0xF43200, s7;
	s18 =	sadd.s32 s17, s16;
	[dreg:$0x10] =	wrdreg s15  }
0x11: {  	s8 =	sadd.s32 s4, s16;
	s16 =	simm.s32 $0xA400;
	[dreg:$0x3] =	wrdreg s18  }
0x12: {  	s7 =	simm.s32 $0x80;
	s17 =	simm.s32 $0xC400;
	[dreg:$0x11] =	wrdreg s16  }
0x13: {  	s4 =	ssub.s32 s19, s21;
	s20 =	sadd.s32 $0x3800, s8;
	[dreg:$0x12] =	wrdreg s17  }
0x14: {  	s15 =	simm.s32 $0x6;
	s22 =	sadd.s32 $0x3000, s8;
	[dreg:$0x4] =	wrdreg s20  }
0x15: {  	s19 =	simm.s32 $0xA;
	s24 =	smax.u32 s4, $0x1;
	[dreg:$0x5] =	wrdreg s22  }
0x16: {  	s21 =	simm.s32 $0xC;
	s23 =	sadd.s32 $0x2800, s8;
	[dreg:$0x13] =	wrdreg s24  }
0x17: {  	s25 =	sadd.s32 $0x2000, s8;
	s28 =	sadd.s32 $0x1800, s8;
	[dreg:$0x6] =	wrdreg s23  }
0x18: {  	s29 =	sadd.s32 $0x1000, s8;
	s30 =	sadd.s32 $0x800, s8;
	[dreg:$0x7] =	wrdreg s25  }
0x19: {  	s8 =	simm.s32 $0xE400;
	s16 =	simm.s32 $0x7;
	[dreg:$0x8] =	wrdreg s28  }
0x1a: {  	s17 =	simm.s32 $0x8;
	s18 =	simm.s32 $0x9;
	[dreg:$0x9] =	wrdreg s29  }
0x1b: {  	[dreg:$0xa] =	wrdreg s30;
	s20 =	simm.s32 $0xB;
	s22 =	simm.s32 $0xD  }
0x1c: {  	s23 =	simm.s32 $0xE;
	s24 =	simm.s32 $0xF;
	s25 =	simm.s32 $0x10  }
.LBB2_1:
0x1d: {  	[tilespmem:s2], [sflag:$0x11] =	stream.linear.gather [hbm4b:s5+s2], $0x400, $0x38;
	[tilespmem:$0x10400] =	vst v63  }
0x1e: {  	_ =	swait.ge [sflag:s6], $0x400  }
0x1f: {  	p0 =	por $0x0, $0x0;
	[sflag:s6] =	ssyncset.done $0x0  }
0x20: {  	s28 =	simm.s32 @p0 $0x9;
	[sflag:s6] =	ssyncadd.s32 $0xFFFFFC00  }
0x21: {  	_ =	swait.ge @p0 [sflag:s28], $0x2000  }
0x22: {  	s29 =	simm.s32 @p0 $0x400;
	s30 =	simm.s32 @p0 $0xA;
	[sflag:s28] =	ssyncset.done @p0 $0x0  }
0x23: {  	s31 =	simm.s32 @p0 $0x0;
	[sflag:s28] =	ssyncadd.s32 @p0 $0xFFFFE000;
	s28 =	simm.s32 @p0 $0x80  }
0x24: {  	[tilespmem:s29], [sflag:$0x1] =	stream.indirect.gather @p0 [hbm4b:s3+s28], $0x40, s31, s28, $0xb8;
	[tilespmem:$0x10400] =	vst v63  }
0x25: {  	_ =	swait.ge @p0 [sflag:s30], $0x2000  }
0x26: {  	[sflag:s30] =	ssyncset.done @p0 $0x0  }
0x27: {  	s29 =	simm.s32 @p0 $0x2400;
	[sflag:s30] =	ssyncadd.s32 @p0 $0xFFFFE000;
	s30 =	simm.s32 @p0 $0xB  }
0x28: {  	[tilespmem:s29], [sflag:$0x2] =	stream.indirect.gather @p0 [hbm4b:s3+s28], $0x40, s28, s28, $0xb8;
	[tilespmem:$0x10400] =	vst v63  }
0x29: {  	_ =	swait.ge @p0 [sflag:s30], $0x2000  }
0x2a: {  	s31 =	simm.s32 @p0 $0x4400;
	[sflag:s30] =	ssyncset.done @p0 $0x0  }
0x2b: {  	s29 =	simm.s32 @p0 $0xC;
	[sflag:s30] =	ssyncadd.s32 @p0 $0xFFFFE000;
	s30 =	simm.s32 @p0 $0x100  }
0x2c: {  	[tilespmem:s31], [sflag:$0x3] =	stream.indirect.gather @p0 [hbm4b:s3+s28], $0x40, s30, s28, $0xb8;
	[tilespmem:$0x10400] =	vst v63  }
0x2d: {  	_ =	swait.ge @p0 [sflag:s29], $0x2000  }
0x2e: {  	s30 =	simm.s32 @p0 $0xD;
	[sflag:s29] =	ssyncset.done @p0 $0x0  }
0x2f: {  	s31 =	simm.s32 @p0 $0x6400;
	[sflag:s29] =	ssyncadd.s32 @p0 $0xFFFFE000;
	s29 =	simm.s32 @p0 $0x180  }
0x30: {  	[tilespmem:s31], [sflag:$0x4] =	stream.indirect.gather @p0 [hbm4b:s3+s28], $0x40, s29, s28, $0xb8;
	[tilespmem:$0x10400] =	vst v63  }
0x31: {  	_ =	swait.ge @p0 [sflag:s30], $0x2000  }
0x32: {  	s29 =	simm.s32 @p0 $0xE;
	[sflag:s30] =	ssyncset.done @p0 $0x0  }
0x33: {  	s31 =	simm.s32 @p0 $0x8400;
	[sflag:s30] =	ssyncadd.s32 @p0 $0xFFFFE000;
	s30 =	simm.s32 @p0 $0x200  }
0x34: {  	[tilespmem:s31], [sflag:$0x5] =	stream.indirect.gather @p0 [hbm4b:s3+s28], $0x40, s30, s28, $0xb8;
	[tilespmem:$0x10400] =	vst v63  }
0x35: {  	_ =	swait.ge @p0 [sflag:s29], $0x2000  }
0x36: {  	s30 =	simm.s32 @p0 $0xF;
	[sflag:s29] =	ssyncset.done @p0 $0x0  }
0x37: {  	s31 =	simm.s32 @p0 $0xA400;
	[sflag:s29] =	ssyncadd.s32 @p0 $0xFFFFE000;
	s29 =	simm.s32 @p0 $0x280  }
0x38: {  	[tilespmem:s31], [sflag:$0x6] =	stream.indirect.gather @p0 [hbm4b:s3+s28], $0x40, s29, s28, $0xb8;
	[tilespmem:$0x10400] =	vst v63  }
0x39: {  	_ =	swait.ge @p0 [sflag:s30], $0x2000  }
0x3a: {  	s29 =	simm.s32 @p0 $0x10;
	[sflag:s30] =	ssyncset.done @p0 $0x0  }
0x3b: {  	s31 =	simm.s32 @p0 $0xC400;
	[sflag:s30] =	ssyncadd.s32 @p0 $0xFFFFE000;
	s30 =	simm.s32 @p0 $0x300  }
0x3c: {  	[tilespmem:s31], [sflag:$0x7] =	stream.indirect.gather @p0 [hbm4b:s3+s28], $0x40, s30, s28, $0xb8;
	[tilespmem:$0x10400] =	vst v63  }
0x3d: {  	_ =	swait.ge @p0 [sflag:s29], $0x2000  }
0x3e: {  	s28 =	simm.s32 @!p0 $0x400;
	[sflag:s29] =	ssyncset.done @p0 $0x0  }
0x3f: {  	s30 =	simm.s32 @!p0 $0x0;
	[sflag:s29] =	ssyncadd.s32 @p0 $0xFFFFE000;
	s29 =	simm.s32 @!p0 $0x80  }
0x40: {  	[tilespmem:s28], [sflag:$0x1] =	stream.indirect.gather @!p0 [hbm4b:s3+s29], $0x40, s30, s29, $0xb8;
	[tilespmem:$0x10400] =	vst v63  }
0x41: {  	s28 =	simm.s32 @!p0 $0x2400  }
0x42: {  	[tilespmem:s28], [sflag:$0x2] =	stream.indirect.gather @!p0 [hbm4b:s3+s29], $0x40, s29, s29, $0xb8;
	[tilespmem:$0x10400] =	vst v63  }
0x43: {  	s30 =	simm.s32 @!p0 $0x4400;
	s28 =	simm.s32 @!p0 $0x100  }
0x44: {  	[tilespmem:s30], [sflag:$0x3] =	stream.indirect.gather @!p0 [hbm4b:s3+s29], $0x40, s28, s29, $0xb8;
	[tilespmem:$0x10400] =	vst v63  }
0x45: {  	s28 =	simm.s32 @!p0 $0x180;
	s30 =	simm.s32 @!p0 $0x6400  }
0x46: {  	[tilespmem:s30], [sflag:$0x4] =	stream.indirect.gather @!p0 [hbm4b:s3+s29], $0x40, s28, s29, $0xb8;
	[tilespmem:$0x10400] =	vst v63  }
0x47: {  	s28 =	simm.s32 @!p0 $0x200;
	s30 =	simm.s32 @!p0 $0x8400  }
0x48: {  	[tilespmem:s30], [sflag:$0x5] =	stream.indirect.gather @!p0 [hbm4b:s3+s29], $0x40, s28, s29, $0xb8;
	[tilespmem:$0x10400] =	vst v63  }
0x49: {  	s28 =	simm.s32 @!p0 $0x280;
	s30 =	simm.s32 @!p0 $0xA400  }
0x4a: {  	[tilespmem:s30], [sflag:$0x6] =	stream.indirect.gather @!p0 [hbm4b:s3+s29], $0x40, s28, s29, $0xb8;
	[tilespmem:$0x10400] =	vst v63  }
0x4b: {  	s28 =	simm.s32 @!p0 $0x300;
	s30 =	simm.s32 @!p0 $0xC400  }
0x4c: {  	[tilespmem:s30], [sflag:$0x7] =	stream.indirect.gather @!p0 [hbm4b:s3+s29], $0x40, s28, s29, $0xb8;
	[tilespmem:$0x10400] =	vst v63  }
0x4d: {  	s4 =	rddreg [dreg:$0xb]  }
0x4e: {  	[tilespmem:s8], [sflag:$0x8] =	stream.indirect.gather [hbm4b:s3+s7], $0x40, s4, s7, $0xb8;
	[tilespmem:$0x10400] =	vst v63  }
0x4f: {  	_ =	swait.ge [sflag:s9], $0x2000  }
0x50: {  	s28 =	rddreg [dreg:$0x3];
	[sflag:s9] =	ssyncset.done $0x0  }
0x51: {  	s29 =	rddreg [dreg:$0xc];
	[sflag:s9] =	ssyncadd.s32 $0xFFFFE000;
	s28 =	sadd.s32 $0x0, s28  }
0x52: {  	[hbm4b:s28+s10] =	stream.strided.scatter [tilespmem:s29], [sflag:$0x9], $0x2000, s7, s10, $0x38;
	[tilespmem:$0x10400] =	vst v63  }
0x53: {  	_ =	swait.ge [sflag:s11], $0x2000  }
0x54: {  	s28 =	rddreg [dreg:$0xa];
	[sflag:s11] =	ssyncset.done $0x0  }
0x55: {  	s29 =	rddreg [dreg:$0xd];
	[sflag:s11] =	ssyncadd.s32 $0xFFFFE000;
	s28 =	sadd.s32 $0x0, s28  }
0x56: {  	[hbm4b:s28+s10] =	stream.strided.scatter [tilespmem:s29], [sflag:$0xA], $0x2000, s7, s10, $0x38;
	[tilespmem:$0x10400] =	vst v63  }
0x57: {  	_ =	swait.ge [sflag:s12], $0x2000  }
0x58: {  	s28 =	rddreg [dreg:$0x9];
	[sflag:s12] =	ssyncset.done $0x0  }
0x59: {  	s29 =	rddreg [dreg:$0xe];
	[sflag:s12] =	ssyncadd.s32 $0xFFFFE000;
	s28 =	sadd.s32 $0x0, s28  }
0x5a: {  	[hbm4b:s28+s10] =	stream.strided.scatter [tilespmem:s29], [sflag:$0xB], $0x2000, s7, s10, $0x38;
	[tilespmem:$0x10400] =	vst v63  }
0x5b: {  	_ =	swait.ge [sflag:s13], $0x2000  }
0x5c: {  	s28 =	rddreg [dreg:$0x8];
	[sflag:s13] =	ssyncset.done $0x0  }
0x5d: {  	s29 =	rddreg [dreg:$0xf];
	[sflag:s13] =	ssyncadd.s32 $0xFFFFE000;
	s28 =	sadd.s32 $0x0, s28  }
0x5e: {  	[hbm4b:s28+s10] =	stream.strided.scatter [tilespmem:s29], [sflag:$0xC], $0x2000, s7, s10, $0x38;
	[tilespmem:$0x10400] =	vst v63  }
0x5f: {  	_ =	swait.ge [sflag:s14], $0x2000  }
0x60: {  	s28 =	rddreg [dreg:$0x7];
	[sflag:s14] =	ssyncset.done $0x0  }
0x61: {  	s29 =	rddreg [dreg:$0x10];
	[sflag:s14] =	ssyncadd.s32 $0xFFFFE000;
	s28 =	sadd.s32 $0x0, s28  }
0x62: {  	[hbm4b:s28+s10] =	stream.strided.scatter [tilespmem:s29], [sflag:$0xD], $0x2000, s7, s10, $0x38;
	[tilespmem:$0x10400] =	vst v63  }
0x63: {  	_ =	swait.ge [sflag:s15], $0x2000  }
0x64: {  	s28 =	rddreg [dreg:$0x6];
	[sflag:s15] =	ssyncset.done $0x0  }
0x65: {  	s29 =	rddreg [dreg:$0x11];
	[sflag:s15] =	ssyncadd.s32 $0xFFFFE000;
	s28 =	sadd.s32 $0x0, s28  }
0x66: {  	[hbm4b:s28+s10] =	stream.strided.scatter [tilespmem:s29], [sflag:$0xE], $0x2000, s7, s10, $0x38;
	[tilespmem:$0x10400] =	vst v63  }
0x67: {  	_ =	swait.ge [sflag:s16], $0x2000  }
0x68: {  	s28 =	rddreg [dreg:$0x5];
	[sflag:s16] =	ssyncset.done $0x0  }
0x69: {  	s29 =	rddreg [dreg:$0x12];
	[sflag:s16] =	ssyncadd.s32 $0xFFFFE000;
	s28 =	sadd.s32 $0x0, s28  }
0x6a: {  	[hbm4b:s28+s10] =	stream.strided.scatter [tilespmem:s29], [sflag:$0xF], $0x2000, s7, s10, $0x38;
	[tilespmem:$0x10400] =	vst v63  }
0x6b: {  	_ =	swait.ge [sflag:s17], $0x2000  }
0x6c: {  	s28 =	simm.s32 $0x4000;
	s29 =	rddreg [dreg:$0x4];
	[sflag:s17] =	ssyncset.done $0x0  }
0x6d: {  	[sflag:s17] =	ssyncadd.s32 $0xFFFFE000;
	s30 =	sadd.s32 $0x0, s29;
	s29 =	sadd.s32 $0x80, s5  }
.LBB2_2:
0x6e: {  	[hbm4b:s30+s10] =	stream.strided.scatter [tilespmem:s8], [sflag:$0x10], $0x2000, s7, s10, $0x38;
	[tilespmem:$0x10400] =	vst v63  }
0x6f: {  	_ = 	snop  }
0x70: {  	[tilespmem:s2], [sflag:$0x11] =	stream.linear.gather [hbm4b:s29+s2], $0x400, $0x38;
	[tilespmem:$0x10400] =	vst v63  }
0x71: {  	s30 =	smov.u32 s28;
	_ =	swait.ge [sflag:s6], $0x400  }
0x72: {  	p1 =	sne.s32 s30, $0x0;
	[sflag:s6] =	ssyncset.done $0x0  }
0x73: {  	s31 =	simm.s32 @p1 $0x9;
	[sflag:s6] =	ssyncadd.s32 $0xFFFFFC00  }
0x74: {  	_ =	swait.ge @p1 [sflag:s31], $0x2000  }
0x75: {  	s1 =	simm.s32 @p1 $0x400;
	s0 =	simm.s32 @p1 $0xA;
	[sflag:s31] =	ssyncset.done @p1 $0x0  }
0x76: {  	s4 =	simm.s32 @p1 $0x0;
	[sflag:s31] =	ssyncadd.s32 @p1 $0xFFFFE000;
	s31 =	simm.s32 @p1 $0x80  }
0x77: {  	[tilespmem:s1], [sflag:$0x1] =	stream.indirect.gather @p1 [hbm4b:s3+s31], $0x40, s4, s31, $0xb8;
	[tilespmem:$0x10400] =	vst v63  }
0x78: {  	_ =	swait.ge @p1 [sflag:s0], $0x2000  }
0x79: {  	[sflag:s0] =	ssyncset.done @p1 $0x0  }
0x7a: {  	s1 =	simm.s32 @p1 $0xB;
	[sflag:s0] =	ssyncadd.s32 @p1 $0xFFFFE000;
	s0 =	simm.s32 @p1 $0x2400  }
0x7b: {  	[tilespmem:s0], [sflag:$0x2] =	stream.indirect.gather @p1 [hbm4b:s3+s31], $0x40, s31, s31, $0xb8;
	[tilespmem:$0x10400] =	vst v63  }
0x7c: {  	_ =	swait.ge @p1 [sflag:s1], $0x2000  }
0x7d: {  	s4 =	simm.s32 @p1 $0x4400;
	[sflag:s1] =	ssyncset.done @p1 $0x0  }
0x7e: {  	s0 =	simm.s32 @p1 $0xC;
	[sflag:s1] =	ssyncadd.s32 @p1 $0xFFFFE000;
	s1 =	simm.s32 @p1 $0x100  }
0x7f: {  	[tilespmem:s4], [sflag:$0x3] =	stream.indirect.gather @p1 [hbm4b:s3+s31], $0x40, s1, s31, $0xb8;
	[tilespmem:$0x10400] =	vst v63  }
0x80: {  	_ =	swait.ge @p1 [sflag:s0], $0x2000  }
0x81: {  	s1 =	simm.s32 @p1 $0xD;
	[sflag:s0] =	ssyncset.done @p1 $0x0  }
0x82: {  	s4 =	simm.s32 @p1 $0x6400;
	[sflag:s0] =	ssyncadd.s32 @p1 $0xFFFFE000;
	s0 =	simm.s32 @p1 $0x180  }
0x83: {  	[tilespmem:s4], [sflag:$0x4] =	stream.indirect.gather @p1 [hbm4b:s3+s31], $0x40, s0, s31, $0xb8;
	[tilespmem:$0x10400] =	vst v63  }
0x84: {  	_ =	swait.ge @p1 [sflag:s1], $0x2000  }
0x85: {  	s0 =	simm.s32 @p1 $0xE;
	[sflag:s1] =	ssyncset.done @p1 $0x0  }
0x86: {  	s4 =	simm.s32 @p1 $0x8400;
	[sflag:s1] =	ssyncadd.s32 @p1 $0xFFFFE000;
	s1 =	simm.s32 @p1 $0x200  }
0x87: {  	[tilespmem:s4], [sflag:$0x5] =	stream.indirect.gather @p1 [hbm4b:s3+s31], $0x40, s1, s31, $0xb8;
	[tilespmem:$0x10400] =	vst v63  }
0x88: {  	_ =	swait.ge @p1 [sflag:s0], $0x2000  }
0x89: {  	s1 =	simm.s32 @p1 $0xF;
	[sflag:s0] =	ssyncset.done @p1 $0x0  }
0x8a: {  	s4 =	simm.s32 @p1 $0xA400;
	[sflag:s0] =	ssyncadd.s32 @p1 $0xFFFFE000;
	s0 =	simm.s32 @p1 $0x280  }
0x8b: {  	[tilespmem:s4], [sflag:$0x6] =	stream.indirect.gather @p1 [hbm4b:s3+s31], $0x40, s0, s31, $0xb8;
	[tilespmem:$0x10400] =	vst v63  }
0x8c: {  	_ =	swait.ge @p1 [sflag:s1], $0x2000  }
0x8d: {  	s0 =	simm.s32 @p1 $0x10;
	[sflag:s1] =	ssyncset.done @p1 $0x0  }
0x8e: {  	s4 =	simm.s32 @p1 $0xC400;
	[sflag:s1] =	ssyncadd.s32 @p1 $0xFFFFE000;
	s1 =	simm.s32 @p1 $0x300  }
0x8f: {  	[tilespmem:s4], [sflag:$0x7] =	stream.indirect.gather @p1 [hbm4b:s3+s31], $0x40, s1, s31, $0xb8;
	[tilespmem:$0x10400] =	vst v63  }
0x90: {  	_ =	swait.ge @p1 [sflag:s0], $0x2000  }
0x91: {  	s1 =	simm.s32 @!p1 $0x400;
	[sflag:s0] =	ssyncset.done @p1 $0x0  }
0x92: {  	s4 =	simm.s32 @!p1 $0x0;
	[sflag:s0] =	ssyncadd.s32 @p1 $0xFFFFE000;
	s0 =	simm.s32 @!p1 $0x80  }
0x93: {  	[tilespmem:s1], [sflag:$0x1] =	stream.indirect.gather @!p1 [hbm4b:s3+s0], $0x40, s4, s0, $0xb8;
	[tilespmem:$0x10400] =	vst v63  }
0x94: {  	s1 =	simm.s32 @!p1 $0x2400  }
0x95: {  	[tilespmem:s1], [sflag:$0x2] =	stream.indirect.gather @!p1 [hbm4b:s3+s0], $0x40, s0, s0, $0xb8;
	[tilespmem:$0x10400] =	vst v63  }
0x96: {  	s4 =	simm.s32 @!p1 $0x4400;
	s1 =	simm.s32 @!p1 $0x100  }
0x97: {  	[tilespmem:s4], [sflag:$0x3] =	stream.indirect.gather @!p1 [hbm4b:s3+s0], $0x40, s1, s0, $0xb8;
	[tilespmem:$0x10400] =	vst v63  }
0x98: {  	s1 =	simm.s32 @!p1 $0x180;
	s4 =	simm.s32 @!p1 $0x6400  }
0x99: {  	[tilespmem:s4], [sflag:$0x4] =	stream.indirect.gather @!p1 [hbm4b:s3+s0], $0x40, s1, s0, $0xb8;
	[tilespmem:$0x10400] =	vst v63  }
0x9a: {  	s1 =	simm.s32 @!p1 $0x200;
	s4 =	simm.s32 @!p1 $0x8400  }
0x9b: {  	[tilespmem:s4], [sflag:$0x5] =	stream.indirect.gather @!p1 [hbm4b:s3+s0], $0x40, s1, s0, $0xb8;
	[tilespmem:$0x10400] =	vst v63  }
0x9c: {  	s1 =	simm.s32 @!p1 $0x280;
	s4 =	simm.s32 @!p1 $0xA400  }
0x9d: {  	[tilespmem:s4], [sflag:$0x6] =	stream.indirect.gather @!p1 [hbm4b:s3+s0], $0x40, s1, s0, $0xb8;
	[tilespmem:$0x10400] =	vst v63  }
0x9e: {  	s1 =	simm.s32 @!p1 $0x300;
	s4 =	simm.s32 @!p1 $0xC400  }
0x9f: {  	[tilespmem:s4], [sflag:$0x7] =	stream.indirect.gather @!p1 [hbm4b:s3+s0], $0x40, s1, s0, $0xb8;
	[tilespmem:$0x10400] =	vst v63  }
0xa0: {  	s31 =	rddreg [dreg:$0xb]  }
0xa1: {  	[tilespmem:s8], [sflag:$0x8] =	stream.indirect.gather [hbm4b:s3+s7], $0x40, s31, s7, $0xb8;
	[tilespmem:$0x10400] =	vst v63  }
0xa2: {  	_ =	swait.ge [sflag:s9], $0x2000  }
0xa3: {  	s4 =	rddreg [dreg:$0x3];
	[sflag:s9] =	ssyncset.done $0x0  }
0xa4: {  	s31 =	rddreg [dreg:$0xc];
	[sflag:s9] =	ssyncadd.s32 $0xFFFFE000;
	s0 =	sadd.s32 s30, s4  }
0xa5: {  	[hbm4b:s0+s10] =	stream.strided.scatter [tilespmem:s31], [sflag:$0x9], $0x2000, s7, s10, $0x38;
	[tilespmem:$0x10400] =	vst v63  }
0xa6: {  	_ =	swait.ge [sflag:s11], $0x2000  }
0xa7: {  	s4 =	rddreg [dreg:$0xa];
	[sflag:s11] =	ssyncset.done $0x0  }
0xa8: {  	s31 =	rddreg [dreg:$0xd];
	[sflag:s11] =	ssyncadd.s32 $0xFFFFE000;
	s0 =	sadd.s32 s30, s4  }
0xa9: {  	[hbm4b:s0+s10] =	stream.strided.scatter [tilespmem:s31], [sflag:$0xA], $0x2000, s7, s10, $0x38;
	[tilespmem:$0x10400] =	vst v63  }
0xaa: {  	_ =	swait.ge [sflag:s12], $0x2000  }
0xab: {  	s4 =	rddreg [dreg:$0x9];
	[sflag:s12] =	ssyncset.done $0x0  }
0xac: {  	s31 =	rddreg [dreg:$0xe];
	[sflag:s12] =	ssyncadd.s32 $0xFFFFE000;
	s0 =	sadd.s32 s30, s4  }
0xad: {  	[hbm4b:s0+s10] =	stream.strided.scatter [tilespmem:s31], [sflag:$0xB], $0x2000, s7, s10, $0x38;
	[tilespmem:$0x10400] =	vst v63  }
0xae: {  	_ =	swait.ge [sflag:s13], $0x2000  }
0xaf: {  	s4 =	rddreg [dreg:$0x8];
	[sflag:s13] =	ssyncset.done $0x0  }
0xb0: {  	s31 =	rddreg [dreg:$0xf];
	[sflag:s13] =	ssyncadd.s32 $0xFFFFE000;
	s0 =	sadd.s32 s30, s4  }
0xb1: {  	[hbm4b:s0+s10] =	stream.strided.scatter [tilespmem:s31], [sflag:$0xC], $0x2000, s7, s10, $0x38;
	[tilespmem:$0x10400] =	vst v63  }
0xb2: {  	_ =	swait.ge [sflag:s14], $0x2000  }
0xb3: {  	s4 =	rddreg [dreg:$0x7];
	[sflag:s14] =	ssyncset.done $0x0  }
0xb4: {  	s31 =	rddreg [dreg:$0x10];
	[sflag:s14] =	ssyncadd.s32 $0xFFFFE000;
	s0 =	sadd.s32 s30, s4  }
0xb5: {  	[hbm4b:s0+s10] =	stream.strided.scatter [tilespmem:s31], [sflag:$0xD], $0x2000, s7, s10, $0x38;
	[tilespmem:$0x10400] =	vst v63  }
0xb6: {  	_ =	swait.ge [sflag:s15], $0x2000  }
0xb7: {  	s4 =	rddreg [dreg:$0x6];
	[sflag:s15] =	ssyncset.done $0x0  }
0xb8: {  	s31 =	rddreg [dreg:$0x11];
	[sflag:s15] =	ssyncadd.s32 $0xFFFFE000;
	s0 =	sadd.s32 s30, s4  }
0xb9: {  	[hbm4b:s0+s10] =	stream.strided.scatter [tilespmem:s31], [sflag:$0xE], $0x2000, s7, s10, $0x38;
	[tilespmem:$0x10400] =	vst v63  }
0xba: {  	_ =	swait.ge [sflag:s16], $0x2000  }
0xbb: {  	s28 =	sadd.s32 $0x4000, s28;
	s1 =	rddreg [dreg:$0x5]  }
0xbc: {  	p0 =	sne.s32 s28, $0x64000;
	s4 =	rddreg [dreg:$0x12];
	[sflag:s16] =	ssyncset.done $0x0  }
.Ltmp0:
0xbd: {  	[sflag:s16] =	ssyncadd.s32 $0xFFFFE000;
	s0 =	sadd.s32 s30, s1;
	(pc) =	sbr.rel @p0 .LBB2_2-.Ltmp0, $4  }
0xbe: {  	[hbm4b:s0+s10] =	stream.strided.scatter [tilespmem:s4], [sflag:$0xF], $0x2000, s7, s10, $0x38;
	[tilespmem:$0x10400] =	vst v63  }
0xbf: {  	_ =	swait.ge [sflag:s17], $0x2000  }
0xc0: {  	[sflag:s17] =	ssyncset.done $0x0;
	s31 =	rddreg [dreg:$0x4]  }
0xc1: {  	s29 =	sadd.s32 $0x80, s29;
	[sflag:s17] =	ssyncadd.s32 $0xFFFFE000;
	s30 =	sadd.s32 s30, s31  }
0xc2: {  	[hbm4b:s30+s10] =	stream.strided.scatter [tilespmem:s8], [sflag:$0x10], $0x2000, s7, s10, $0x38;
	[tilespmem:$0x10400] =	vst v63  }
0xc3: {  	_ =	swait.ge [sflag:s18], $0x2000  }
0xc4: {  	[sflag:s18] =	ssyncset.done $0x0  }
0xc5: {  	[sflag:s18] =	ssyncadd.s32 $0xFFFFE000  }
0xc6: {  	_ =	swait.ge [sflag:s19], $0x2000  }
0xc7: {  	[sflag:s19] =	ssyncset.done $0x0  }
0xc8: {  	[sflag:s19] =	ssyncadd.s32 $0xFFFFE000  }
0xc9: {  	_ =	swait.ge [sflag:s20], $0x2000  }
0xca: {  	[sflag:s20] =	ssyncset.done $0x0  }
0xcb: {  	[sflag:s20] =	ssyncadd.s32 $0xFFFFE000  }
0xcc: {  	_ =	swait.ge [sflag:s21], $0x2000  }
0xcd: {  	[sflag:s21] =	ssyncset.done $0x0  }
0xce: {  	[sflag:s21] =	ssyncadd.s32 $0xFFFFE000  }
0xcf: {  	_ =	swait.ge [sflag:s22], $0x2000  }
0xd0: {  	[sflag:s22] =	ssyncset.done $0x0  }
0xd1: {  	[sflag:s22] =	ssyncadd.s32 $0xFFFFE000  }
0xd2: {  	_ =	swait.ge [sflag:s23], $0x2000  }
0xd3: {  	[sflag:s23] =	ssyncset.done $0x0  }
0xd4: {  	[sflag:s23] =	ssyncadd.s32 $0xFFFFE000  }
0xd5: {  	_ =	swait.ge [sflag:s24], $0x2000  }
0xd6: {  	[sflag:s24] =	ssyncset.done $0x0  }
0xd7: {  	[sflag:s24] =	ssyncadd.s32 $0xFFFFE000  }
0xd8: {  	_ =	swait.ge [sflag:s25], $0x2000  }
0xd9: {  	s26 =	sadd.s32 $0x1, s26;
	s0 =	rddreg [dreg:$0x13]  }
0xda: {  	p0 =	sne.s32 s26, s0  }
.Ltmp1:
0xdb: {  	_ = 	snop;
	(pc) =	sbr.rel @p0 .LBB2_1-.Ltmp1, $3  }
0xdc: {  	_ =	sdelay $0x1  }
0xdd: {  	[sflag:s25] =	ssyncset.done $0x0  }
0xde: {  	[sflag:s25] =	ssyncadd.s32 $0xFFFFE000  }
0xdf: {  	_ =	sfence.sel $0x180000  }
0xe0: {  	[bflag:$0x0] =	sbarrier.arrive $0xFFFF  }
0xe1: {  	_ =	strace $0x9000004A  }
0xe2: {  	s0 =	stileid.u32;
	[bflag:$0x2] =	sbarrier.arrive $0xFFFF  }
0xe3: {  	p0 =	sne.s32 s0, $0x0;
	s0 =	rddreg [dreg:$0x2]  }
0xe4: {  	s0 =	sadd.s32 @!p0 $0x100000, s0  }
0xe5: {  	[sflag:s0] =	ssyncadd.tile.s32 @!p0 $0x1;
	_ =	shalt  }
.Lfunc_end2:
_tile_overlayer_lowered:
.L_overlay_start_2:
0xe6: {  	(tag) =	ssettag $0x2  }
0xe7: {  	s0 =	rddreg [dreg:$0x0];
	s2 =	stileid.u32  }
0xe8: {  	s1 =	rddreg [dreg:$0x1];
	p0 =	sne.s32 s2, $0x0  }
0xe9: {  	s3 =	rddreg [dreg:$0x2];
	[bflag:$0x3] =	sbarrier.arrive $0xFFFF;
	s2 =	simm.s32 @!p0 $0x1C11  }
0xea: {  	[timem:s3], [sflag:s2] =	dma.local @!p0 [hbm:s0], s1  }
0xeb: {  	s0 =	simm.s32 @!p0 $0x11  }
0xec: {  	_ =	swait.ge @!p0 [sflag:s0], s1  }
0xed: {  	s1 =	ssub.s32 @!p0 $0x0, s1;
	[sflag:s0] =	ssyncset.done @!p0 $0x0  }
0xee: {  	[sflag:s0] =	ssyncadd.s32 @!p0 s1  }
0xef: {  	[bflag:$0x3] =	sbarrier.arrive $0xFFFF  }
0xf0: {  	_ =	shalt  }

// kernel: sparse-core-data-format-call.1.cloned.1.call-start
scs
called_computation.1_lowered:
.L_overlay_start_0:
0x0: {  	s2 =	sld [smem:$0x3FD9]  }
0x1: {  	s3 =	sld [smem:$0x3FFE];
	_ =	sdelay $0x1  }
0x2: {  	s1 =	srdreg.scid  }
0x3: {  	s0 =	sand.u32 $0x1, s1  }
0x4: {  	s18 =	sshll.u32 s0, $0xA;
	s2 =	sadd.s32 s3, s2  }
0x5: {  	s2 =	sadd.s32 s2, s18  }
0x6: {  	[smem:$0x3FC6] =	sst s2  }
0x7: {  	_ = 	snop  }
0x8: {  	s2 =	sld [smem:$0x3FC8];
	(tm) =	ssettm $0x1  }
0x9: {  	s19 =	sld [smem:$0x3FFB];
	_ =	sdelay $0x3  }
0xa: {  	_ =	strace s19  }
0xb: {  	s3 =	sld [smem:$0x3FFC];
	_ =	sdelay $0x3  }
0xc: {  	_ =	strace s3  }
0xd: {  	s3 =	sld [smem:$0x3FFD];
	_ =	sdelay $0x3  }
0xe: {  	_ =	strace s3  }
0xf: {  	_ =	strace $0x8FFFFFFF  }
0x10: {  	s20 =	sld [smem:$0x3FDB];
	_ =	sdelay $0x1  }
0x11: {  	s4 =	simm.s32 $_scs_section_size  }
0x12: {  	s5 =	simm.s32 $_size__tile_overlayer_lowered;
	s6 =	simm.s32 $_tile_overlayer_lowered  }
0x13: {  	s23 =	simm.s32 $0x1BFF;
	s22 =	sshll.u32 s6, $0x1;
	s3 =	sadd.s32 s4, s20  }
0x14: {  	s7 =	simm.s32 $0x0;
	s21 =	sshll.u32 s5, $0x1;
	s5 =	sadd.s32 s22, s3  }
0x15: {  	[timem:s7], [sflag:s23] =	dma.local [hbm:s5], s21  }
0x16: {  	_ =	swait.ge [sflag:s23], s21  }
0x17: {  	s4 =	ssub.s32 $0x0, s21;
	[sflag:s23] =	ssyncset.done $0x0  }
0x18: {  	[sflag:s23] =	ssyncadd.s32 s4;
	_ =	sdelay $0x1  }
0x19: {  	s24 =	simm.s32 $0x1B8B  }
0x1a: {  	_ =	swait.ge [sflag:s24], $0x1  }
0x1b: {  	[sflag:s24] =	ssyncset.done $0x0  }
0x1c: {  	s26 =	simm.s32 $0x1B8E;
	s25 =	sld [smem:$0x3FFE];
	[sflag:s24] =	ssyncadd.s32 $0xFFFFFFFF  }
0x1d: {  	s27 =	simm.s32 $execute0_lowered;
	[smem:$0x3FD2] =	sst s26  }
0x1e: {  	s5 =	sshll.u32 s27, $0x1;
	_ =	strace $0x80000046;
	[dreg:$0x1] =	wrdreg $0xFFFFFFFF  }
0x1f: {  	s28 =	simm.s32 $_size_execute0_lowered;
	s3 =	sadd.s32 s3, s5;
	[dreg:$0x0] =	wrdreg $0x0  }
0x20: {  	s5 =	sshll.u32 s28, $0x1;
	[dreg:$0x2] =	wrdreg s3  }
0x21: {  	[dreg:$0x3] =	wrdreg s5  }
0x22: {  	[dreg:$0x4] =	wrdreg $0xC0  }
0x23: {  	_ =	task [dreg:s7], $0x5FFFF  }
0x24: {  	[dreg:$0x1] =	wrdreg $0xFFFFFFFF  }
0x25: {  	[dreg:$0x0] =	wrdreg $0x60  }
0x26: {  	[dreg:$0x2] =	wrdreg s2  }
0x27: {  	[dreg:$0x3] =	wrdreg s25  }
0x28: {  	[dreg:$0x4] =	wrdreg $0x9  }
0x29: {  	_ =	task.clear_ibuf [dreg:s7], $0x5FFFF;
	_ =	strace $0x90000046  }
0x2a: {  	s29 =	simm.s32 $0x9;
	_ =	strace $0x80000048  }
0x2b: {  	_ =	swait.ge [sflag:s29], $0x1  }
0x2c: {  	[sflag:s29] =	ssyncadd.s32 $0xFFFFFFFF  }
0x2d: {  	_ =	strace $0x90000048  }
0x2e: {  	_ =	sfence  }
0x2f: {  	s30 =	sld [smem:$0x0];
	_ =	sdelay $0x2  }
0x30: {  	s31 =	sshll.u32 s1, $0xD;
	s1 =	sshrl.u32 s1, $0x2  }
0x31: {  	s3 =	sand.u32 $0x4000, s31;
	s1 =	sadd.s32 s1, s30  }
0x32: {  	s0 =	sor.u32 s3, s0;
	s1 =	sshll.u32 s1, $0x11  }
0x33: {  	s0 =	sor.u32 s1, s0  }
0x34: {  	s0 =	sadd.s32 $0x8F2B, s0  }
0x35: {  	[sflag:s0] =	ssyncadd.remote.s32 $0x1  }
0x36: {  	_ =	sfence.sel $0xFFFF  }
0x37: {  	[dreg:$0x0] =	wrdreg $0xFFFFFFFF;
	(pc) =	sbr.abs _section_cstart, $3  }
0x38: {  	[dreg:$0x1] =	wrdreg $0xFFFFFFFF  }
0x39: {  	_ =	task.clear_ibuf [dreg:s7], $0x2FFFF;
	_ =	strace $0x9FFFFFFF  }
0x3a: {  	(tm) =	ssettm $0x7FFFFFFF  }
0x3b: {  	_ =	shalt  }
tec
execute0_lowered:
.L_overlay_start_1:
0x0: {  	(tag) =	ssettag $0x1  }
0x1: {  	s0 =	srdreg.scid;
	s2 =	rddreg [dreg:$0x0]  }
0x2: {  	s5 =	rddreg [dreg:$0x1];
	s1 =	stileid.u32  }
0x3: {  	s4 =	simm.s32 $0x1;
	s6 =	simm.s32 $0x2;
	s15 =	simm.s32 $0x0  }
0x4: {  	p0 =	por $0x0, $0x0;
	s8 =	simm.s32 $0x80;
	s0 =	sshll.u32 s0, $0x4  }
0x5: {  	s14 =	simm.s32 $0x0;
	s9 =	simm.s32 $0x0;
	s3 =	sand.u32 $0x10, s0  }
.Ltmp0:
0x6: {  	s10 =	simm.s32 $0x0;
	s3 =	sor.u32 s1, s3;
	(pc) =	sbr.rel .LBB1_1-.Ltmp0, $4  }
0x7: {  	s0 =	rddreg [dreg:$0x2];
	_ =	strace $0x80000047;
	s3 =	sshll.u32 s3, $0x7  }
0x8: {  	s12 =	simm.s32 $0x0;
	[sflag:s4] =	ssyncpa.u1 $0x0;
	s7 =	ssub.s32 $0xF4200, s3  }
0x9: {  	s13 =	simm.s32 $0x0;
	[sflag:s6] =	ssyncpa.u1 $0x0;
	s6 =	sshrl.u32 s7, $0xC  }
0xa: {  	s5 =	sadd.s32 $0xE00, s5;
	s11 =	smov.u32 s3;
	s7 =	sadd.s32 $0x2, s6  }
.LBB1_5:
0xb: {  	p1 =	slt.u32 s13, $0x2  }
0xc: {  	s17 =	smov.u32 s15;
	p2 =	sgt.s32 @!p1 s15, $0xF41C0;
	s16 =	sshra.s32 @!p1 s15, $0x1F  }
0xd: {  	p3 =	sgt.s32 @!p1 s14, $0x40;
	s18 =	sshra.s32 @!p1 s14, $0x1F;
	p2 =	por !p2, p1  }
0xe: {  	s15 =	sand.u32 @!p1 s16, s15;
	p3 =	por !p3, p1;
	s16 =	smov.u32 s14  }
0xf: {  	s14 =	sand.u32 @!p1 s18, s14;
	s17 =	simm.s32 @p2 $0xF41C0;
	s16 =	simm.s32 @p3 $0x40  }
0x10: {  	s15 =	ssub.s32 @!p1 s17, s15;
	s14 =	ssub.s32 @!p1 s16, s14  }
0x11: {  	s18 =	smov.u32 s12;
	s16 =	sadd.s32 @!p1 $0xFFF0BE40, s15;
	s17 =	sadd.s32 @!p1 $0xFFFFFFC0, s14  }
0x12: {  	s15 =	ssub.s32 @!p1 $0xF4240, s15;
	p2 =	sgt.s32 @!p1 s16, $0x7F;
	p3 =	sgt.s32 @!p1 s17, $0x3F  }
0x13: {  	s14 =	ssub.s32 @!p1 $0x80, s14;
	p2 =	por !p2, p1;
	p3 =	por !p3, p1  }
0x14: {  	s16 =	sadd.s32 $0x1000, s11;
	s15 =	simm.s32 @!p2 $0x0;
	s14 =	simm.s32 @!p3 $0x0  }
0x15: {  	p2 =	sgt.s32 s16, $0xF423F;
	s14 =	smul.u32 @!p1 s14, s15;
	s15 =	sadd.s32 $0x40, s12  }
0x16: {  	s18 =	smov.u32 @p2 s15  }
0x17: {  	s16 =	smov.u32 @p2 s3;
	p2 =	sgt.s32 s18, $0x3F  }
0x18: {  	s18 =	simm.s32 @p2 $0x0;
	p2 =	sne.s32 s13, s7  }
.Ltmp1:
0x19: {  	p0 =	por !p0, !p0;
	s17 =	simm.s32 @!p1 $0x2;
	(pc) =	sbr.rel @!p2 .LBB1_6-.Ltmp1, $4  }
0x1a: {  	s15 =	smov.u32 s9;
	s9 =	smov.u32 s11;
	s14 =	sand.u32 @!p1 $0x3FFFFFFF, s14  }
0x1b: {  	s11 =	smov.u32 s16;
	_ =	swait.ge @!p1 [sflag:s17], s14;
	s19 =	ssub.s32 @!p1 $0x0, s14  }
0x1c: {  	s14 =	smov.u32 s10;
	s13 =	sadd.s32 $0x1, s13;
	[sflag:s17] =	ssyncset.done @!p1 $0x0  }
0x1d: {  	s10 =	smov.u32 s12;
	s12 =	smov.u32 s18;
	[sflag:s17] =	ssyncadd.s32 @!p1 s19  }
.LBB1_1:
0x1e: {  	p1 =	sgt.u32 s13, s6  }
0x1f: {  	s16 =	sshrl.u32 @!p1 s12, $0x3  }
0x20: {  	s17 =	sshll.u32 @!p1 s11, $0x3;
	s16 =	smul.u32 @!p1 $0x7A1400, s16  }
0x21: {  	s18 =	sshll.u32 @!p1 s12, $0x7;
	s17 =	sand.u32 @!p1 $0xFFFFFC00, s17  }
0x22: {  	s16 =	sadd.s32 @!p1 s16, s17;
	s17 =	sand.u32 @!p1 $0x380, s18  }
0x23: {  	s18 =	sand.u32 @!p1 $0x7F, s11;
	s16 =	sor.u32 @!p1 s17, s16  }
0x24: {  	s17 =	sor.u32 @!p1 s18, s16  }
0x25: {  	s18 =	smulhi.u32 @!p1 $0x218D6287, s17;
	_ =	sdelay $0x1  }
0x26: {  	s16 =	smulhi.u32 @!p1 $0x218D6287, s16;
	s18 =	sshrl.u32 @!p1 s18, $0x11  }
0x27: {  	s18 =	smul.u32 @!p1 $0xF4280, s18  }
0x28: {  	s19 =	sxor.u32 @!p1 $0xFFFFFFFF, s13;
	s16 =	sshrl.u32 @!p1 s16, $0x11  }
0x29: {  	s19 =	sshll.u32 @!p1 s19, $0xD;
	s16 =	sand.u32 @!p1 $0x3F, s16;
	s17 =	ssub.s32 @!p1 s17, s18  }
0x2a: {  	s16 =	smul.u32 @!p1 $0x1E850, s16;
	s18 =	sshrl.u32 @!p1 s17, $0x3;
	s17 =	sand.u32 @!p1 $0x7, s17  }
0x2b: {  	s19 =	sand.u32 @!p1 $0x2000, s19;
	s18 =	sadd.s32 @!p1 s2, s18;
	s17 =	sshll.u32 @!p1 s17, $0x12  }
0x2c: {  	s16 =	sadd.s32 @!p1 s16, s18;
	s17 =	sor.u32 @!p1 $0x400, s17;
	s18 =	simm.s32 @!p1 $0x7A1400  }
0x2d: {  	[tilespmem:s19], [sflag:$0x1] =	stream.strided.gather @!p1 [hbm4b:s16+s17], $0x2000, s18, s17, $0x38;
	[tilespmem:$0x8100] =	vst v63  }
0x2e: {  	p1 =	seq.s32 s13, $0x0  }
0x2f: {  	p2 =	sge.u32 @!p1 s13, s7  }
0x30: {  	p1 =	por p1, p2  }
.Ltmp2:
0x31: {  	_ = 	snop;
	(pc) =	sbr.rel @p1 .LBB1_5-.Ltmp2, $1  }
0x32: {  	_ =	sdelay $0x3  }
0x33: {  	s16 =	simm.s32 $0x1  }
0x34: {  	_ =	swait.ge [sflag:s4], $0x2000;
	s16 =	simm.s32 @!p0 $0x0  }
0x35: {  	[sflag:s4] =	ssyncset.done $0x0;
	s17 =	sshll.u32 s16, $0xD  }
0x36: {  	[sflag:s4] =	ssyncadd.s32 $0xFFFFE000;
	s17 =	sor.u32 $0x40, s17  }
0x37: {  	s16 =	smul.u32 $0x8200, s16;
	v0 =	vld [tilespmem:s17+$0x30]  }
0x38: {  	v1 =	vld [tilespmem:s17+$0xFFFFFFD0]  }
0x39: {  	s16 =	sshrl.u32 s16, $0x2;
	v5 =	vld [tilespmem:s17+$0xFFFFFFE0]  }
0x3a: {  	v6 =	vld [tilespmem:s17+$0xFFFFFFF0];
	s19 =	sor.u32 $0x4000, s16  }
0x3b: {  	s31 =	sand.u32 $0x1, s13;
	v4 =	vld [tilespmem:s17+$0x0];
	s18 =	sadd.s32 $0x0, s19  }
0x3c: {  	v3 =	vld [tilespmem:s17+$0x10];
	s16 =	smul.u32 $0x8200, s31;
	[tilespmem:s18+$0x1C70 ss:$0x41] =	vst.msk $0xffff, v0  }
0x3d: {  	v2 =	vld [tilespmem:s17+$0x20];
	[tilespmem:s18+$0x410 ss:$0x41] =	vst.msk $0xffff, v1  }
0x3e: {  	s16 =	sshrl.u32 s16, $0x2;
	v1 =	vld [tilespmem:s17+$0xFFFFFFC0];
	[tilespmem:s18+$0x820 ss:$0x41] =	vst.msk $0xffff, v5;
	s17 =	sadd.s32 $0x80, s17  }
0x3f: {  	s20 =	simm.s32 $0x4;
	s21 =	simm.s32 $0x8;
	s16 =	sor.u32 $0x4000, s16;
	[tilespmem:s18+$0xC30 ss:$0x41] =	vst.msk $0xffff, v6;
	v0 =	vld [tilespmem:s17+$0x30]  }
.LBB1_3:
0x40: {  	p1 =	sne.s32 s21, $0xFC;
	v5 =	vld [tilespmem:s17+$0xFFFFFFD0];
	[tilespmem:s18+$0x1040 ss:$0x41] =	vst.msk $0xffff, v4  }
0x41: {  	v6 =	vld [tilespmem:s17+$0xFFFFFFE0];
	[tilespmem:s18+$0x1450 ss:$0x41] =	vst.msk $0xffff, v3  }
0x42: {  	s22 =	sshra.s32 s20, $0x2;
	s20 =	smov.u32 s21;
	v7 =	vld [tilespmem:s17+$0xFFFFFFF0];
	[tilespmem:s18+$0x1860 ss:$0x41] =	vst.msk $0xffff, v2  }
.Ltmp3:
0x43: {  	v4 =	vld [tilespmem:s17+$0x0];
	[tilespmem:s18+$0x0 ss:$0x41] =	vst.msk $0xffff, v1;
	s18 =	sadd.s32 s22, s19;
	(pc) =	sbr.rel @p1 .LBB1_3-.Ltmp3, $4  }
0x44: {  	v3 =	vld [tilespmem:s17+$0x10];
	[tilespmem:s18+$0x1C70 ss:$0x41] =	vst.msk $0xffff, v0  }
0x45: {  	[tilespmem:s18+$0x410 ss:$0x41] =	vst.msk $0xffff, v5;
	v2 =	vld [tilespmem:s17+$0x20]  }
0x46: {  	v1 =	vld [tilespmem:s17+$0xFFFFFFC0];
	[tilespmem:s18+$0x820 ss:$0x41] =	vst.msk $0xffff, v6;
	s17 =	sadd.s32 $0x80, s17  }
0x47: {  	s21 =	sadd.s32 $0x4, s21;
	v0 =	vld [tilespmem:s17+$0x30];
	[tilespmem:s18+$0xC30 ss:$0x41] =	vst.msk $0xffff, v7  }
0x48: {  	s21 =	sshll.u32 s9, $0x7;
	s22 =	sshll.u32 s10, $0x3;
	s20 =	sshra.s32 s20, $0x2  }
0x49: {  	p1 =	sgt.s32 s9, $0xF41C0;
	s30 =	sshra.s32 s9, $0x1F;
	s25 =	sshra.s32 s10, $0x1F  }
0x4a: {  	v5 =	vld [tilespmem:s17+$0xFFFFFFD0];
	s28 =	sshrl.u32 s10, $0x3;
	s23 =	sand.u32 $0xFFFFFC00, s21;
	s22 =	sand.u32 $0xFFFFFC00, s22  }
0x4b: {  	[tilespmem:s18+$0x1040 ss:$0x41] =	vst.msk $0xffff, v4;
	v58 =	vld [tilespmem:s17+$0xFFFFFFE0];
	s21 =	sand.u32 $0x380, s21;
	s19 =	sadd.s32 s20, s19;
	s22 =	sadd.s32 s22, s23  }
0x4c: {  	v59 =	vld [tilespmem:s17+$0xFFFFFFF0];
	[tilespmem:s18+$0x1450 ss:$0x41] =	vst.msk $0xffff, v3;
	s29 =	sor.u32 s21, s22;
	s21 =	smov.u32 s9;
	s22 =	sand.u32 s30, s9  }
0x4d: {  	v60 =	vld [tilespmem:s17+$0x0];
	[tilespmem:s18+$0x1860 ss:$0x41] =	vst.msk $0xffff, v2;
	s30 =	sand.u32 $0x7, s10;
	s20 =	sshrl.u32 s29, $0x7;
	s21 =	simm.s32 @!p1 $0xF41C0  }
0x4e: {  	v61 =	vld [tilespmem:s17+$0x10];
	[tilespmem:s18+$0x0 ss:$0x41] =	vst.msk $0xffff, v1;
	p1 =	sgt.s32 s10, $0x40;
	s24 =	ssub.s32 s21, s22;
	s21 =	smov.u32 s10  }
0x4f: {  	v62 =	vld [tilespmem:s17+$0x20];
	[tilespmem:s19+$0x1C70 ss:$0x41] =	vst.msk $0xffff, v0;
	s31 =	smulhi.u32 $0x218DEF5, s20;
	s22 =	sand.u32 s25, s10;
	s21 =	simm.s32 @!p1 $0x40  }
0x50: {  	v63 =	vld [tilespmem:s17+$0xFFFFFFC0];
	[tilespmem:s19+$0x410 ss:$0x41] =	vst.msk $0xffff, v5;
	s26 =	sadd.s32 $0xFFF0BE40, s24;
	s17 =	ssub.s32 $0xF4240, s24;
	s21 =	ssub.s32 s21, s22  }
0x51: {  	[tilespmem:s19+$0x820 ss:$0x41] =	vst.msk $0xffff, v58;
	s23 =	sshrl.u32 s31, $0xD;
	p1 =	sgt.s32 s26, $0x7F;
	s27 =	sadd.s32 $0xFFFFFFC0, s21  }
0x52: {  	[tilespmem:s19+$0xC30 ss:$0x41] =	vst.msk $0xffff, v59;
	s23 =	smul.u32 $0xF4240, s23;
	s18 =	ssub.s32 $0x80, s21;
	p2 =	sgt.s32 s27, $0x3F  }
.Ltmp4:
0x53: {  	[tilespmem:s19+$0x1040 ss:$0x41] =	vst.msk $0xffff, v60;
	s17 =	simm.s32 @p1 $0x0;
	s18 =	simm.s32 @p2 $0x0;
	(pc) =	sbr.rel .LBB1_5-.Ltmp4, $4  }
0x54: {  	s29 =	sand.u32 $0xF, s28;
	[tilespmem:s19+$0x1450 ss:$0x41] =	vst.msk $0xffff, v61;
	s20 =	ssub.s32 s20, s23;
	s17 =	smul.u32 s18, s17  }
0x55: {  	[tilespmem:s19+$0x1860 ss:$0x41] =	vst.msk $0xffff, v62;
	s21 =	sshll.u32 s30, $0x12;
	s20 =	sshll.u32 s20, $0x4;
	s18 =	sadd.s32 s5, s29  }
0x56: {  	[tilespmem:s19+$0x0 ss:$0x41] =	vst.msk $0xffff, v63;
	s31 =	sor.u32 $0x40, s21;
	s18 =	sadd.s32 s20, s18;
	s17 =	sand.u32 $0x3FFFFFFF, s17  }
0x57: {  	[hbm4b:s18+s31] =	stream.strided.scatter [tilespmem:s16], [sflag:$0x2], s17, s8, s31, $0x18;
	[tilespmem:$0x8100] =	vst v63  }
.LBB1_6:
0x58: {  	_ =	sfence.sel $0x180000  }
0x59: {  	s2 =	simm.s32 $0x1;
	[bflag:$0x0] =	sbarrier.arrive $0xFFFF  }
0x5a: {  	s31 =	simm.s32 $0x2;
	[sflag:s2] =	ssyncpa.u1 $0x1  }
0x5b: {  	[sflag:s31] =	ssyncpa.u1 $0x1  }
0x5c: {  	p0 =	sne.s32 s1, $0x0;
	_ =	strace $0x90000047  }
0x5d: {  	s0 =	sadd.s32 @!p0 $0x100000, s0;
	[bflag:$0x2] =	sbarrier.arrive $0xFFFF  }
0x5e: {  	[sflag:s0] =	ssyncadd.tile.s32 @!p0 $0x1;
	_ =	shalt  }
.Lfunc_end1:
_tile_overlayer_lowered:
.L_overlay_start_2:
0x5f: {  	(tag) =	ssettag $0x2  }
0x60: {  	s0 =	rddreg [dreg:$0x0];
	s2 =	stileid.u32  }
0x61: {  	s1 =	rddreg [dreg:$0x1];
	p0 =	sne.s32 s2, $0x0  }
0x62: {  	s3 =	rddreg [dreg:$0x2];
	[bflag:$0x3] =	sbarrier.arrive $0xFFFF;
	s2 =	simm.s32 @!p0 $0x1C01  }
0x63: {  	[timem:s3], [sflag:s2] =	dma.local @!p0 [hbm:s0], s1  }
0x64: {  	s0 =	simm.s32 @!p0 $0x1  }
0x65: {  	_ =	swait.ge @!p0 [sflag:s0], s1  }
0x66: {  	s1 =	ssub.s32 @!p0 $0x0, s1;
	[sflag:s0] =	ssyncset.done @!p0 $0x0  }
0x67: {  	[sflag:s0] =	ssyncadd.s32 @!p0 s1  }
0x68: {  	[bflag:$0x3] =	sbarrier.arrive $0xFFFF  }
0x69: {  	_ =	shalt  }

// kernel: sparse-core-data-format-call.cloned.1.call-start
scs
called_computation_lowered:
.L_overlay_start_0:
0x0: {  	s2 =	sld [smem:$0x3FD9]  }
0x1: {  	s3 =	sld [smem:$0x3FFE];
	_ =	sdelay $0x1  }
0x2: {  	s1 =	srdreg.scid  }
0x3: {  	s0 =	sand.u32 $0x1, s1  }
0x4: {  	s18 =	sshll.u32 s0, $0xA;
	s2 =	sadd.s32 s3, s2  }
0x5: {  	s2 =	sadd.s32 s2, s18  }
0x6: {  	[smem:$0x3FC6] =	sst s2  }
0x7: {  	_ = 	snop  }
0x8: {  	s2 =	sld [smem:$0x3FD0];
	(tm) =	ssettm $0x1  }
0x9: {  	s19 =	sld [smem:$0x3FFB];
	_ =	sdelay $0x3  }
0xa: {  	_ =	strace s19  }
0xb: {  	s3 =	sld [smem:$0x3FFC];
	_ =	sdelay $0x3  }
0xc: {  	_ =	strace s3  }
0xd: {  	s3 =	sld [smem:$0x3FFD];
	_ =	sdelay $0x3  }
0xe: {  	_ =	strace s3  }
0xf: {  	_ =	strace $0x8FFFFFFF  }
0x10: {  	s20 =	sld [smem:$0x3FDB];
	_ =	sdelay $0x1  }
0x11: {  	s4 =	simm.s32 $_scs_section_size  }
0x12: {  	s5 =	simm.s32 $_size__tile_overlayer_lowered;
	s6 =	simm.s32 $_tile_overlayer_lowered  }
0x13: {  	s23 =	simm.s32 $0x1BFF;
	s22 =	sshll.u32 s6, $0x1;
	s3 =	sadd.s32 s4, s20  }
0x14: {  	s7 =	simm.s32 $0x0;
	s21 =	sshll.u32 s5, $0x1;
	s5 =	sadd.s32 s22, s3  }
0x15: {  	[timem:s7], [sflag:s23] =	dma.local [hbm:s5], s21  }
0x16: {  	_ =	swait.ge [sflag:s23], s21  }
0x17: {  	s4 =	ssub.s32 $0x0, s21;
	[sflag:s23] =	ssyncset.done $0x0  }
0x18: {  	[sflag:s23] =	ssyncadd.s32 s4;
	_ =	sdelay $0x1  }
0x19: {  	s24 =	simm.s32 $0x1B8B  }
0x1a: {  	_ =	swait.ge [sflag:s24], $0x1  }
0x1b: {  	[sflag:s24] =	ssyncset.done $0x0  }
0x1c: {  	s26 =	simm.s32 $0x1B8E;
	s25 =	sld [smem:$0x3FFE];
	[sflag:s24] =	ssyncadd.s32 $0xFFFFFFFF  }
0x1d: {  	s27 =	simm.s32 $execute0_lowered;
	[smem:$0x3FD2] =	sst s26  }
0x1e: {  	s5 =	sshll.u32 s27, $0x1;
	_ =	strace $0x8000004C;
	[dreg:$0x1] =	wrdreg $0xFFFFFFFF  }
0x1f: {  	s28 =	simm.s32 $_size_execute0_lowered;
	s3 =	sadd.s32 s3, s5;
	[dreg:$0x0] =	wrdreg $0x0  }
0x20: {  	s5 =	sshll.u32 s28, $0x1;
	[dreg:$0x2] =	wrdreg s3  }
0x21: {  	[dreg:$0x3] =	wrdreg s5  }
0x22: {  	[dreg:$0x4] =	wrdreg $0xC0  }
0x23: {  	_ =	task [dreg:s7], $0x5FFFF  }
0x24: {  	[dreg:$0x1] =	wrdreg $0xFFFFFFFF  }
0x25: {  	[dreg:$0x0] =	wrdreg $0x60  }
0x26: {  	[dreg:$0x2] =	wrdreg s25  }
0x27: {  	[dreg:$0x3] =	wrdreg s2  }
0x28: {  	[dreg:$0x4] =	wrdreg $0x9  }
0x29: {  	_ =	task.clear_ibuf [dreg:s7], $0x5FFFF;
	_ =	strace $0x9000004C  }
0x2a: {  	s29 =	simm.s32 $0x9;
	_ =	strace $0x8000004E  }
0x2b: {  	_ =	swait.ge [sflag:s29], $0x1  }
0x2c: {  	[sflag:s29] =	ssyncadd.s32 $0xFFFFFFFF  }
0x2d: {  	_ =	strace $0x9000004E  }
0x2e: {  	_ =	sfence  }
0x2f: {  	s30 =	sld [smem:$0x0];
	_ =	sdelay $0x2  }
0x30: {  	s31 =	sshll.u32 s1, $0xD;
	s1 =	sshrl.u32 s1, $0x2  }
0x31: {  	s3 =	sand.u32 $0x4000, s31;
	s1 =	sadd.s32 s1, s30  }
0x32: {  	s0 =	sor.u32 s3, s0;
	s1 =	sshll.u32 s1, $0x11  }
0x33: {  	s0 =	sor.u32 s1, s0  }
0x34: {  	s0 =	sadd.s32 $0x8F2B, s0  }
0x35: {  	[sflag:s0] =	ssyncadd.remote.s32 $0x1  }
0x36: {  	_ =	sfence.sel $0xFFFF  }
0x37: {  	[dreg:$0x0] =	wrdreg $0xFFFFFFFF;
	(pc) =	sbr.abs _section_cstart, $3  }
0x38: {  	[dreg:$0x1] =	wrdreg $0xFFFFFFFF  }
0x39: {  	_ =	task.clear_ibuf [dreg:s7], $0x2FFFF;
	_ =	strace $0x9FFFFFFF  }
0x3a: {  	(tm) =	ssettm $0x7FFFFFFF  }
0x3b: {  	_ =	shalt  }
tec
execute0_lowered:
.L_overlay_start_1:
0x0: {  	(tag) =	ssettag $0x1  }
0x1: {  	s0 =	srdreg.scid  }
0x2: {  	s1 =	sshll.u32 s0, $0x4  }
0x3: {  	s0 =	stileid.u32;
	s1 =	sand.u32 $0x10, s1  }
0x4: {  	s1 =	sor.u32 s0, s1  }
0x5: {  	s6 =	rddreg [dreg:$0x0];
	s4 =	simm.s32 $0x1;
	s2 =	sshll.u32 s1, $0x7  }
0x6: {  	s7 =	simm.s32 $0x2;
	s12 =	simm.s32 $0x0;
	s1 =	ssub.s32 $0x1000, s2  }
0x7: {  	s8 =	simm.s32 $0x8000;
	s13 =	simm.s32 $0x0;
	s3 =	sand.u32 $0xF80, s1  }
0x8: {  	s9 =	simm.s32 $0x0;
	s5 =	sshrl.u32 s1, $0xC;
	p0 =	sne.s32 s3, $0x0  }
.Ltmp0:
0x9: {  	s1 =	rddreg [dreg:$0x2];
	s4 =	simm.s32 @!p0 $0x0;
	(pc) =	sbr.rel .LBB1_1-.Ltmp0, $4  }
0xa: {  	s11 =	simm.s32 $0x0;
	s3 =	rddreg [dreg:$0x1];
	s5 =	sadd.s32 s4, s5  }
0xb: {  	_ =	strace $0x8000004D;
	s4 =	simm.s32 $0x1;
	s5 =	smul.u32 $0xC8, s5  }
0xc: {  	s6 =	sadd.s32 $0xE00, s6;
	s10 =	smov.u32 s2;
	[sflag:s4] =	ssyncpa.u1 $0x0  }
0xd: {  	p0 =	por $0x0, $0x0;
	[sflag:s7] =	ssyncpa.u1 $0x0;
	s7 =	sor.u32 $0x1, s5  }
.LBB1_4:
0xe: {  	s16 =	sshll.u32 s13, $0x3;
	s17 =	sand.u32 $0x78, s13  }
0xf: {  	s30 =	sand.u32 $0x7E00, s13;
	s12 =	sshll.u32 s12, $0xF;
	s16 =	sand.u32 $0xC00, s16  }
0x10: {  	[tilespmem:s15+$0x810 ss:$0x81] =	vst.msk $0xffff, v2;
	s31 =	sand.u32 $0x7, s13;
	s16 =	sor.u32 s17, s16;
	s17 =	sadd.s32 s3, s30  }
0x11: {  	[tilespmem:s15+$0x1020 ss:$0x81] =	vst.msk $0xffff, v0;
	s13 =	sshll.u32 s31, $0x12;
	s12 =	sadd.s32 s12, s17;
	s16 =	sshrl.u32 s16, $0x3  }
0x12: {  	[tilespmem:s15+$0x0 ss:$0x81] =	vst.msk $0xffff, v1;
	s13 =	sor.u32 $0x400, s13;
	s12 =	sadd.s32 s16, s12  }
0x13: {  	[hbm4b:s12+s13] =	stream.strided.scatter [tilespmem:s14], [sflag:$0x2], $0x2000, s8, s13, $0x20;
	[tilespmem:$0x8080] =	vst v63  }
.LBB1_5:
0x14: {  	s14 =	sadd.s32 $0x1, s9  }
0x15: {  	s12 =	sadd.s32 $0x1000, s10;
	s16 =	smov.u32 s10;
	p2 =	sgt.s32 s14, $0xC7  }
0x16: {  	s16 =	smov.u32 @p2 s12  }
0x17: {  	s14 =	simm.s32 @p2 $0x0;
	p2 =	sgt.s32 s16, $0xFFF  }
0x18: {  	s16 =	smov.u32 @p2 s2;
	p2 =	sne.s32 s11, s7  }
.Ltmp1:
0x19: {  	p1 =	slt.u32 s11, $0x2;
	(pc) =	sbr.rel @!p2 .LBB1_6-.Ltmp1, $4  }
0x1a: {  	s15 =	simm.s32 @!p1 $0x2  }
0x1b: {  	s13 =	smov.u32 s10;
	p0 =	por !p0, !p0;
	_ =	swait.ge @!p1 [sflag:s15], $0x2000  }
0x1c: {  	s12 =	smov.u32 s9;
	[sflag:s15] =	ssyncset.done @!p1 $0x0;
	s9 =	smov.u32 s14  }
0x1d: {  	s11 =	sadd.s32 $0x1, s11;
	[sflag:s15] =	ssyncadd.s32 @!p1 $0xFFFFE000;
	s10 =	smov.u32 s16  }
.LBB1_1:
0x1e: {  	p1 =	sge.u32 s11, s5  }
0x1f: {  	s14 =	sand.u32 @!p1 $0x1FFFFFF, s9  }
0x20: {  	s15 =	smulhi.u32 @!p1 $0x147AE15, s14;
	_ =	sdelay $0x1  }
0x21: {  	s15 =	smul.u32 @!p1 $0xC8, s15  }
0x22: {  	s16 =	sxor.u32 @!p1 $0xFFFFFFFF, s11;
	s17 =	smul.u32 @!p1 $0xC80, s10  }
0x23: {  	s31 =	sadd.s32 $0xFFFFFFFF, s11;
	s16 =	sshll.u32 @!p1 s16, $0xD;
	s14 =	ssub.s32 @!p1 s14, s15  }
0x24: {  	s15 =	sand.u32 @!p1 $0x2000, s16;
	s16 =	sadd.s32 @!p1 s6, s17;
	s14 =	sshll.u32 @!p1 s14, $0x4  }
0x25: {  	s17 =	simm.s32 @!p1 $0x6400;
	s14 =	sadd.s32 @!p1 s14, s16;
	s16 =	simm.s32 @!p1 $0x40  }
0x26: {  	[tilespmem:s15], [sflag:$0x1] =	stream.strided.gather @!p1 [hbm4b:s14+s16], $0x2000, s17, s16, $0x38;
	[tilespmem:$0x8080] =	vst v63  }
0x27: {  	p1 =	sge.u32 s31, s5  }
.Ltmp2:
0x28: {  	_ = 	snop;
	(pc) =	sbr.rel @p1 .LBB1_5-.Ltmp2, $1  }
0x29: {  	_ =	sdelay $0x3  }
0x2a: {  	s14 =	simm.s32 $0x1  }
0x2b: {  	_ =	swait.ge [sflag:s4], $0x2000;
	s14 =	simm.s32 @!p0 $0x0  }
0x2c: {  	[sflag:s4] =	ssyncset.done $0x0;
	s15 =	sshll.u32 s14, $0xD  }
0x2d: {  	[sflag:s4] =	ssyncadd.s32 $0xFFFFE000;
	s18 =	sor.u32 $0x20, s15  }
0x2e: {  	s14 =	smul.u32 $0x8100, s14;
	v3 =	vld [tilespmem:s18+$0x10]  }
0x2f: {  	s30 =	sand.u32 $0x1, s11;
	v2 =	vld [tilespmem:s18+$0xFFFFFFF0]  }
0x30: {  	s15 =	smul.u32 $0x8100, s30;
	s14 =	sshrl.u32 s14, $0x2;
	v0 =	vld [tilespmem:s18+$0x0]  }
0x31: {  	v1 =	vld [tilespmem:s18+$0xFFFFFFE0];
	s16 =	sor.u32 $0x4000, s14  }
0x32: {  	s31 =	sshrl.u32 s15, $0x2;
	s15 =	sadd.s32 $0x0, s16  }
0x33: {  	s17 =	simm.s32 $0x4;
	s18 =	sadd.s32 $0x40, s18;
	s14 =	sor.u32 $0x4000, s31;
	[tilespmem:s15+$0x1830 ss:$0x81] =	vst.msk $0xffff, v3  }
.LBB1_3:
0x34: {  	v3 =	vld [tilespmem:s18+$0x10];
	p1 =	sne.s32 s17, $0x1FC;
	[tilespmem:s15+$0x810 ss:$0x81] =	vst.msk $0xffff, v2;
	s19 =	smov.u32 s17;
	s17 =	sadd.s32 $0x4, s17  }
.Ltmp3:
0x35: {  	v2 =	vld [tilespmem:s18+$0xFFFFFFF0];
	[tilespmem:s15+$0x1020 ss:$0x81] =	vst.msk $0xffff, v0;
	(pc) =	sbr.rel @p1 .LBB1_3-.Ltmp3, $4  }
0x36: {  	v0 =	vld [tilespmem:s18+$0x0];
	[tilespmem:s15+$0x0 ss:$0x81] =	vst.msk $0xffff, v1  }
0x37: {  	s15 =	sshra.s32 s19, $0x2;
	v1 =	vld [tilespmem:s18+$0xFFFFFFE0]  }
0x38: {  	s15 =	sadd.s32 s15, s16  }
0x39: {  	s18 =	sadd.s32 $0x40, s18;
	[tilespmem:s15+$0x1830 ss:$0x81] =	vst.msk $0xffff, v3  }
.Ltmp4:
0x3a: {  	_ = 	snop;
	(pc) =	sbr.rel .LBB1_4-.Ltmp4, $1  }
0x3b: {  	_ =	sdelay $0x3  }
.LBB1_6:
0x3c: {  	_ =	sfence.sel $0x180000  }
0x3d: {  	s2 =	simm.s32 $0x1;
	[bflag:$0x0] =	sbarrier.arrive $0xFFFF  }
0x3e: {  	s31 =	simm.s32 $0x2;
	[sflag:s2] =	ssyncpa.u1 $0x1  }
0x3f: {  	[sflag:s31] =	ssyncpa.u1 $0x1  }
0x40: {  	p0 =	sne.s32 s0, $0x0;
	_ =	strace $0x9000004D  }
0x41: {  	s0 =	sadd.s32 @!p0 $0x100000, s1;
	[bflag:$0x2] =	sbarrier.arrive $0xFFFF  }
0x42: {  	[sflag:s0] =	ssyncadd.tile.s32 @!p0 $0x1;
	_ =	shalt  }
.Lfunc_end1:
_tile_overlayer_lowered:
.L_overlay_start_2:
0x43: {  	(tag) =	ssettag $0x2  }
0x44: {  	s0 =	rddreg [dreg:$0x0];
	s2 =	stileid.u32  }
0x45: {  	s1 =	rddreg [dreg:$0x1];
	p0 =	sne.s32 s2, $0x0  }
0x46: {  	s3 =	rddreg [dreg:$0x2];
	[bflag:$0x3] =	sbarrier.arrive $0xFFFF;
	s2 =	simm.s32 @!p0 $0x1C01  }
0x47: {  	[timem:s3], [sflag:s2] =	dma.local @!p0 [hbm:s0], s1  }
0x48: {  	s0 =	simm.s32 @!p0 $0x1  }
0x49: {  	_ =	swait.ge @!p0 [sflag:s0], s1  }
0x4a: {  	s1 =	ssub.s32 @!p0 $0x0, s1;
	[sflag:s0] =	ssyncset.done @!p0 $0x0  }
0x4b: {  	[sflag:s0] =	ssyncadd.s32 @!p0 s1  }
0x4c: {  	[bflag:$0x3] =	sbarrier.arrive $0xFFFF  }
0x4d: {  	_ =	shalt  }

</sc_bundles>
